<compile_context>
chip_gen: v7x
topology: tpu7x:2x2x1
jax: 0.10.2.dev20260603
libtpu: 0.0.44.dev20260713+nightly
codegen_flags: <defaults>
</compile_context>

<pallas_src>
import functools

import jax
import jax.numpy as jnp
from jax import lax
from jax.experimental import pallas as pl
from jax.experimental.pallas import tpu as pltpu
from jax.experimental.pallas import tpu_sc as plsc

NC = 2
NS = 16
NW = NC * NS

IDX_W = 128
CHUNK = 256


def _mlp_table_body(emb_ref, wf_ref, bf_ref, wo_ref, ls_ref, lb_ref, out_ref):
    h = jnp.dot(emb_ref[...], wf_ref[...], preferred_element_type=jnp.float32)
    h = h + bf_ref[...]
    h = jax.nn.gelu(h, approximate=True)
    h = jnp.dot(h, wo_ref[...], preferred_element_type=jnp.float32)
    mu = jnp.mean(h, axis=-1, keepdims=True)
    d = h - mu
    var = jnp.mean(d * d, axis=-1, keepdims=True)
    h = d * lax.rsqrt(var + 1e-6)
    out_ref[...] = h * ls_ref[...] + lb_ref[...]


def _compute_table(embedding, W_fuse, b_fuse, W_out, ln_scale, ln_bias):
    vocab = embedding.shape[0]
    hidden = W_out.shape[1]
    return pl.pallas_call(
        _mlp_table_body,
        out_shape=jax.ShapeDtypeStruct((vocab, hidden), jnp.float32),
    )(embedding, W_fuse, b_fuse.reshape(1, hidden), W_out,
      ln_scale.reshape(1, hidden), ln_bias.reshape(1, hidden))


def _sc_gather(table, idx_flat, total, hidden):
    vocab = table.shape[0]
    per_w = total // NW
    nchunk = per_w // CHUNK
    gpc = CHUNK // IDX_W
    mesh = plsc.VectorSubcoreMesh(core_axis_name="c", subcore_axis_name="s")

    @functools.partial(
        pl.kernel,
        mesh=mesh,
        out_type=jax.ShapeDtypeStruct((total, hidden), jnp.float32),
        scratch_types=[
            pltpu.VMEM_SHARED((vocab, hidden), jnp.float32),
            pltpu.VMEM((per_w,), jnp.int32),
            pltpu.VMEM((CHUNK, hidden), jnp.float32),
            pltpu.VMEM((CHUNK, hidden), jnp.float32),
            pltpu.SemaphoreType.DMA,
            pltpu.SemaphoreType.DMA,
            pltpu.SemaphoreType.DMA,
            pltpu.SemaphoreType.DMA,
        ],
    )
    def k(table_hbm, idx_hbm, out_hbm, table_s, idx_v, rows0, rows1,
          gsem0, gsem1, ssem0, ssem1):
        sid = lax.axis_index("s")
        wid = sid * NC + lax.axis_index("c")
        @pl.when(sid == 0)
        def _():
            pltpu.sync_copy(table_hbm, table_s)
        plsc.subcore_barrier()

        base = wid * per_w
        pltpu.sync_copy(idx_hbm.at[pl.ds(base, per_w)], idx_v)

        rows = (rows0, rows1)
        gsem = (gsem0, gsem1)
        ssem = (ssem0, ssem1)

        def gather_chunk(c, b):
            cps = [
                pltpu.async_copy(
                    table_s.at[idx_v.at[pl.ds(c * CHUNK + j * IDX_W, IDX_W)]],
                    rows[b].at[pl.ds(j * IDX_W, IDX_W)],
                    gsem[b],
                )
                for j in range(gpc)
            ]
            for cp in cps:
                cp.wait()

        def start_store(c, b):
            pltpu.async_copy(
                rows[b], out_hbm.at[pl.ds(base + c * CHUNK, CHUNK)], ssem[b])

        def wait_store(b):
            pltpu.make_async_copy(
                rows[b], out_hbm.at[pl.ds(base, CHUNK)], ssem[b]).wait()

        for b in range(2):
            gather_chunk(b, b)
            start_store(b, b)

        @pl.loop(2, nchunk, step=2)
        def _(c):
            for b in range(2):
                wait_store(b)
                gather_chunk(c + b, b)
                start_store(c + b, b)

        for b in range(2):
            wait_store(b)

    return k(table, idx_flat)


def kernel(edge_types, embedding, W_fuse, b_fuse, W_out, ln_scale, ln_bias):
    batch, n, _ = edge_types.shape
    hidden = W_out.shape[1]
    total = batch * n * n
    table = _compute_table(embedding, W_fuse, b_fuse, W_out, ln_scale, ln_bias)
    idx_flat = edge_types.reshape(total)
    out = _sc_gather(table, idx_flat, total, hidden)
    return out.reshape(batch, n, n, hidden)

# --- scband reference (transcript-rebuilt; emitter-appended) ---
"""Pipeline reference for scband-edge-embedder-21199958573742 (READ-ONLY COPY).

The authoritative reference and input builder live on the scoring server;
editing this copy changes nothing except your own understanding.
"""

import jax, jax.numpy as jnp
import numpy as np

EDGE_VOCAB = 64
EDGE_EMBED_DIM = 16
HIDDEN_DIM = 64
SCALE = 1.0


def setup_inputs(seed: int = 0) -> dict:
    key = jax.random.key(seed)
    ks = jax.random.split(key, 8)
    edge_types = jax.random.randint(ks[0], (16, 192, 192), 0, EDGE_VOCAB, dtype=jnp.int32)
    embedding = jax.random.normal(ks[1], (EDGE_VOCAB, EDGE_EMBED_DIM), dtype=jnp.float32)
    W_fuse = jax.random.normal(ks[2], (EDGE_EMBED_DIM, HIDDEN_DIM), dtype=jnp.float32) * 0.05
    b_fuse = jnp.zeros((HIDDEN_DIM,), dtype=jnp.float32)
    W_out = jax.random.normal(ks[3], (HIDDEN_DIM, HIDDEN_DIM), dtype=jnp.float32) * 0.05
    ln_scale = jnp.ones((HIDDEN_DIM,), dtype=jnp.float32)
    ln_bias = jnp.zeros((HIDDEN_DIM,), dtype=jnp.float32)
    return {
        'edge_types': edge_types,
        'embedding': embedding,
        'W_fuse': W_fuse,
        'b_fuse': b_fuse,
        'W_out': W_out,
        'ln_scale': ln_scale,
        'ln_bias': ln_bias,
    }


def reference(edge_types, embedding, W_fuse, b_fuse, W_out, ln_scale, ln_bias):
    # nn.Embed: gather rows of the embedding table
    emb = jnp.take(embedding, edge_types, axis=0)  # (B, N, N, edge_embed_dim)
    # Dense 'fuse'
    h = jnp.einsum('bijd,dh->bijh', emb, W_fuse) + b_fuse
    # flax nn.gelu default is the tanh approximation
    h = jax.nn.gelu(h, approximate=True)
    # Dense 'output', no bias
    h = jnp.einsum('bijh,hk->bijk', h, W_out)
    # LayerNorm over last axis (flax default eps=1e-6, with scale and bias)
    mu = jnp.mean(h, axis=-1, keepdims=True)
    var = jnp.var(h, axis=-1, keepdims=True)
    h = (h - mu) * jax.lax.rsqrt(var + 1e-6)
    h = h * ln_scale + ln_bias
    return SCALE * h

if __name__ == "__main__":
    import jax
    _d = setup_inputs()
    print(jax.jit(kernel)(*tuple(_d.values())))

</pallas_src>

<mosaic_0001>
#map = affine_map<(d0, d1) -> (0, 0)>
#map1 = affine_map<(d0, d1) -> (0)>
module attributes {stable_mosaic.version = 14 : i64} {
  func.func @k(%arg0: i32, %arg1: i32, %arg2: memref<64x64xf32, #tpu.memory_space<hbm>>, %arg3: memref<589824xi32, #tpu.memory_space<hbm>>, %arg4: memref<589824x64xf32, #tpu.memory_space<hbm>>, %arg5: memref<64x64xf32, #tpu.memory_space<vmem_shared>>, %arg6: memref<18432xi32, #tpu.memory_space<vmem>>, %arg7: memref<256x64xf32, #tpu.memory_space<vmem>>, %arg8: memref<256x64xf32, #tpu.memory_space<vmem>>, %arg9: memref<!tpu.dma_semaphore, #tpu.memory_space<semaphore_mem>>, %arg10: memref<!tpu.dma_semaphore, #tpu.memory_space<semaphore_mem>>, %arg11: memref<!tpu.dma_semaphore, #tpu.memory_space<semaphore_mem>>, %arg12: memref<!tpu.dma_semaphore, #tpu.memory_space<semaphore_mem>>) attributes {dimension_semantics = [#tpu.dimension_semantics<core_parallel>, #tpu.dimension_semantics<subcore_parallel>], iteration_bounds = array<i64: 2, 16>, scalar_prefetch = 0 : i64, scratch_operands = 8 : i64, tpu.core_type = #tpu.core_type<sc_vector_subcore>, window_params = [{transform_indices = #map}, {transform_indices = #map1}, {transform_indices = #map}]} {
    %mul3A = arith.constant 2 : i32
    %mul3A_0 = arith.muli %arg1, %mul3A : i32
    %add3A = arith.addi %mul3A_0, %arg0 : i32
    %eq3A = arith.constant 0 : i32
    %eq3A_1 = arith.cmpi eq, %arg1, %eq3A : i32
    %convert_element_type3A = arith.extui %eq3A_1 : i1 to i32
    %cond3A = arith.constant 0 : i32
    %cond3A_2 = arith.cmpi ne, %convert_element_type3A, %cond3A : i32
    scf.if %cond3A_2 {
      "tpu.region"() ({
        %run_scoped3A = tpu.sem_alloc : memref<!tpu.dma_semaphore, #tpu.memory_space<semaphore_mem>>
        tpu.enqueue_dma source(%arg2 : memref<64x64xf32, #tpu.memory_space<hbm>>) target(%arg5 : memref<64x64xf32, #tpu.memory_space<vmem_shared>>) target_semaphore(%run_scoped3A : memref<!tpu.dma_semaphore, #tpu.memory_space<semaphore_mem>>)
        tpu.wait_dma2 semaphore(%run_scoped3A : memref<!tpu.dma_semaphore, #tpu.memory_space<semaphore_mem>>) src(%arg2 : memref<64x64xf32, #tpu.memory_space<hbm>>) dst(%arg5 : memref<64x64xf32, #tpu.memory_space<vmem_shared>>)
        tpu.yield
      }) : () -> ()
    } else {
    }
    %barrier3A = arith.constant 0 : index
    tpu.barrier barrier_id(%barrier3A)
    %mul3A_3 = arith.constant 18432 : i32
    %mul3A_4 = arith.muli %add3A, %mul3A_3 : i32
    "tpu.region"() ({
      %run_scoped3A = tpu.sem_alloc : memref<!tpu.dma_semaphore, #tpu.memory_space<semaphore_mem>>
      %dma_start3A_91 = tpu.memref_slice %arg3[%mul3A_4] : memref<589824xi32, #tpu.memory_space<hbm>> -> memref<18432xi32, #tpu.memory_space<hbm>>
      %dma_start3A_92 = tpu.memref_slice %arg3[%mul3A_4] : memref<589824xi32, #tpu.memory_space<hbm>> -> memref<18432xi32, #tpu.memory_space<hbm>>
      tpu.enqueue_dma source(%dma_start3A_92 : memref<18432xi32, #tpu.memory_space<hbm>>) target(%arg6 : memref<18432xi32, #tpu.memory_space<vmem>>) target_semaphore(%run_scoped3A : memref<!tpu.dma_semaphore, #tpu.memory_space<semaphore_mem>>)
      %dma_wait3A_93 = tpu.memref_slice %arg3[%mul3A_4] : memref<589824xi32, #tpu.memory_space<hbm>> -> memref<18432xi32, #tpu.memory_space<hbm>>
      %dma_wait3A_94 = tpu.memref_slice %arg3[%mul3A_4] : memref<589824xi32, #tpu.memory_space<hbm>> -> memref<18432xi32, #tpu.memory_space<hbm>>
      tpu.wait_dma2 semaphore(%run_scoped3A : memref<!tpu.dma_semaphore, #tpu.memory_space<semaphore_mem>>) src(%dma_wait3A_94 : memref<18432xi32, #tpu.memory_space<hbm>>) dst(%arg6 : memref<18432xi32, #tpu.memory_space<vmem>>)
      tpu.yield
    }) : () -> ()
    %dma_start3A = arith.constant 0 : i32
    %dma_start3A_5 = arith.constant 0 : i32
    %dma_start3A_6 = tpu.memref_slice %arg7[%dma_start3A, %dma_start3A_5] : memref<256x64xf32, #tpu.memory_space<vmem>> -> memref<128x64xf32, #tpu.memory_space<vmem>>
    %dma_start3A_7 = arith.constant 0 : i32
    %dma_start3A_8 = tpu.memref_slice %arg6[%dma_start3A_7] : memref<18432xi32, #tpu.memory_space<vmem>> -> memref<128xi32, #tpu.memory_space<vmem>>
    %dma_start3A_9 = arith.constant 0 : i32
    %dma_start3A_10 = arith.constant 0 : i32
    %dma_start3A_11 = tpu.memref_slice %arg5[%dma_start3A_9, %dma_start3A_10] : memref<64x64xf32, #tpu.memory_space<vmem_shared>> -> memref<64x64xf32, #tpu.memory_space<vmem_shared>>
    tpu.enqueue_indirect_dma source(%dma_start3A_11 : memref<64x64xf32, #tpu.memory_space<vmem_shared>>) target(%dma_start3A_6 : memref<128x64xf32, #tpu.memory_space<vmem>>) offsets(%dma_start3A_8 : memref<128xi32, #tpu.memory_space<vmem>>) semaphore(%arg9 : memref<!tpu.dma_semaphore, #tpu.memory_space<semaphore_mem>>)
    %dma_start3A_12 = arith.constant 128 : i32
    %dma_start3A_13 = arith.constant 0 : i32
    %dma_start3A_14 = tpu.memref_slice %arg7[%dma_start3A_12, %dma_start3A_13] : memref<256x64xf32, #tpu.memory_space<vmem>> -> memref<128x64xf32, #tpu.memory_space<vmem>>
    %dma_start3A_15 = arith.constant 128 : i32
    %dma_start3A_16 = tpu.memref_slice %arg6[%dma_start3A_15] : memref<18432xi32, #tpu.memory_space<vmem>> -> memref<128xi32, #tpu.memory_space<vmem>>
    %dma_start3A_17 = arith.constant 0 : i32
    %dma_start3A_18 = arith.constant 0 : i32
    %dma_start3A_19 = tpu.memref_slice %arg5[%dma_start3A_17, %dma_start3A_18] : memref<64x64xf32, #tpu.memory_space<vmem_shared>> -> memref<64x64xf32, #tpu.memory_space<vmem_shared>>
    tpu.enqueue_indirect_dma source(%dma_start3A_19 : memref<64x64xf32, #tpu.memory_space<vmem_shared>>) target(%dma_start3A_14 : memref<128x64xf32, #tpu.memory_space<vmem>>) offsets(%dma_start3A_16 : memref<128xi32, #tpu.memory_space<vmem>>) semaphore(%arg9 : memref<!tpu.dma_semaphore, #tpu.memory_space<semaphore_mem>>)
    %dma_wait3A = arith.constant 0 : i32
    %dma_wait3A_20 = arith.constant 0 : i32
    %dma_wait3A_21 = tpu.memref_slice %arg7[%dma_wait3A, %dma_wait3A_20] : memref<256x64xf32, #tpu.memory_space<vmem>> -> memref<128x64xf32, #tpu.memory_space<vmem>>
    %dma_wait3A_22 = arith.constant 0 : i32
    %dma_wait3A_23 = tpu.memref_slice %arg6[%dma_wait3A_22] : memref<18432xi32, #tpu.memory_space<vmem>> -> memref<128xi32, #tpu.memory_space<vmem>>
    %dma_wait3A_24 = arith.constant 0 : i32
    %dma_wait3A_25 = arith.constant 0 : i32
    %dma_wait3A_26 = tpu.memref_slice %arg5[%dma_wait3A_24, %dma_wait3A_25] : memref<64x64xf32, #tpu.memory_space<vmem_shared>> -> memref<64x64xf32, #tpu.memory_space<vmem_shared>>
    tpu.wait_indirect_dma semaphore(%arg9 : memref<!tpu.dma_semaphore, #tpu.memory_space<semaphore_mem>>) src(%dma_wait3A_26 : memref<64x64xf32, #tpu.memory_space<vmem_shared>>) dst(%dma_wait3A_21 : memref<128x64xf32, #tpu.memory_space<vmem>>)
    %dma_wait3A_27 = arith.constant 128 : i32
    %dma_wait3A_28 = arith.constant 0 : i32
    %dma_wait3A_29 = tpu.memref_slice %arg7[%dma_wait3A_27, %dma_wait3A_28] : memref<256x64xf32, #tpu.memory_space<vmem>> -> memref<128x64xf32, #tpu.memory_space<vmem>>
    %dma_wait3A_30 = arith.constant 128 : i32
    %dma_wait3A_31 = tpu.memref_slice %arg6[%dma_wait3A_30] : memref<18432xi32, #tpu.memory_space<vmem>> -> memref<128xi32, #tpu.memory_space<vmem>>
    %dma_wait3A_32 = arith.constant 0 : i32
    %dma_wait3A_33 = arith.constant 0 : i32
    %dma_wait3A_34 = tpu.memref_slice %arg5[%dma_wait3A_32, %dma_wait3A_33] : memref<64x64xf32, #tpu.memory_space<vmem_shared>> -> memref<64x64xf32, #tpu.memory_space<vmem_shared>>
    tpu.wait_indirect_dma semaphore(%arg9 : memref<!tpu.dma_semaphore, #tpu.memory_space<semaphore_mem>>) src(%dma_wait3A_34 : memref<64x64xf32, #tpu.memory_space<vmem_shared>>) dst(%dma_wait3A_29 : memref<128x64xf32, #tpu.memory_space<vmem>>)
    %add3A_35 = arith.constant 0 : i32
    %add3A_36 = arith.addi %mul3A_4, %add3A_35 : i32
    %dma_start3A_37 = arith.constant 0 : i32
    %dma_start3A_38 = tpu.memref_slice %arg4[%add3A_36, %dma_start3A_37] : memref<589824x64xf32, #tpu.memory_space<hbm>> -> memref<256x64xf32, #tpu.memory_space<hbm>>
    %dma_start3A_39 = arith.constant 0 : i32
    %dma_start3A_40 = tpu.memref_slice %arg4[%add3A_36, %dma_start3A_39] : memref<589824x64xf32, #tpu.memory_space<hbm>> -> memref<256x64xf32, #tpu.memory_space<hbm>>
    tpu.enqueue_dma source(%arg7 : memref<256x64xf32, #tpu.memory_space<vmem>>) target(%dma_start3A_40 : memref<256x64xf32, #tpu.memory_space<hbm>>) target_semaphore(%arg11 : memref<!tpu.dma_semaphore, #tpu.memory_space<semaphore_mem>>)
    %dma_start3A_41 = arith.constant 0 : i32
    %dma_start3A_42 = arith.constant 0 : i32
    %dma_start3A_43 = tpu.memref_slice %arg8[%dma_start3A_41, %dma_start3A_42] : memref<256x64xf32, #tpu.memory_space<vmem>> -> memref<128x64xf32, #tpu.memory_space<vmem>>
    %dma_start3A_44 = arith.constant 256 : i32
    %dma_start3A_45 = tpu.memref_slice %arg6[%dma_start3A_44] : memref<18432xi32, #tpu.memory_space<vmem>> -> memref<128xi32, #tpu.memory_space<vmem>>
    %dma_start3A_46 = arith.constant 0 : i32
    %dma_start3A_47 = arith.constant 0 : i32
    %dma_start3A_48 = tpu.memref_slice %arg5[%dma_start3A_46, %dma_start3A_47] : memref<64x64xf32, #tpu.memory_space<vmem_shared>> -> memref<64x64xf32, #tpu.memory_space<vmem_shared>>
    tpu.enqueue_indirect_dma source(%dma_start3A_48 : memref<64x64xf32, #tpu.memory_space<vmem_shared>>) target(%dma_start3A_43 : memref<128x64xf32, #tpu.memory_space<vmem>>) offsets(%dma_start3A_45 : memref<128xi32, #tpu.memory_space<vmem>>) semaphore(%arg10 : memref<!tpu.dma_semaphore, #tpu.memory_space<semaphore_mem>>)
    %dma_start3A_49 = arith.constant 128 : i32
    %dma_start3A_50 = arith.constant 0 : i32
    %dma_start3A_51 = tpu.memref_slice %arg8[%dma_start3A_49, %dma_start3A_50] : memref<256x64xf32, #tpu.memory_space<vmem>> -> memref<128x64xf32, #tpu.memory_space<vmem>>
    %dma_start3A_52 = arith.constant 384 : i32
    %dma_start3A_53 = tpu.memref_slice %arg6[%dma_start3A_52] : memref<18432xi32, #tpu.memory_space<vmem>> -> memref<128xi32, #tpu.memory_space<vmem>>
    %dma_start3A_54 = arith.constant 0 : i32
    %dma_start3A_55 = arith.constant 0 : i32
    %dma_start3A_56 = tpu.memref_slice %arg5[%dma_start3A_54, %dma_start3A_55] : memref<64x64xf32, #tpu.memory_space<vmem_shared>> -> memref<64x64xf32, #tpu.memory_space<vmem_shared>>
    tpu.enqueue_indirect_dma source(%dma_start3A_56 : memref<64x64xf32, #tpu.memory_space<vmem_shared>>) target(%dma_start3A_51 : memref<128x64xf32, #tpu.memory_space<vmem>>) offsets(%dma_start3A_53 : memref<128xi32, #tpu.memory_space<vmem>>) semaphore(%arg10 : memref<!tpu.dma_semaphore, #tpu.memory_space<semaphore_mem>>)
    %dma_wait3A_57 = arith.constant 0 : i32
    %dma_wait3A_58 = arith.constant 0 : i32
    %dma_wait3A_59 = tpu.memref_slice %arg8[%dma_wait3A_57, %dma_wait3A_58] : memref<256x64xf32, #tpu.memory_space<vmem>> -> memref<128x64xf32, #tpu.memory_space<vmem>>
    %dma_wait3A_60 = arith.constant 256 : i32
    %dma_wait3A_61 = tpu.memref_slice %arg6[%dma_wait3A_60] : memref<18432xi32, #tpu.memory_space<vmem>> -> memref<128xi32, #tpu.memory_space<vmem>>
    %dma_wait3A_62 = arith.constant 0 : i32
    %dma_wait3A_63 = arith.constant 0 : i32
    %dma_wait3A_64 = tpu.memref_slice %arg5[%dma_wait3A_62, %dma_wait3A_63] : memref<64x64xf32, #tpu.memory_space<vmem_shared>> -> memref<64x64xf32, #tpu.memory_space<vmem_shared>>
    tpu.wait_indirect_dma semaphore(%arg10 : memref<!tpu.dma_semaphore, #tpu.memory_space<semaphore_mem>>) src(%dma_wait3A_64 : memref<64x64xf32, #tpu.memory_space<vmem_shared>>) dst(%dma_wait3A_59 : memref<128x64xf32, #tpu.memory_space<vmem>>)
    %dma_wait3A_65 = arith.constant 128 : i32
    %dma_wait3A_66 = arith.constant 0 : i32
    %dma_wait3A_67 = tpu.memref_slice %arg8[%dma_wait3A_65, %dma_wait3A_66] : memref<256x64xf32, #tpu.memory_space<vmem>> -> memref<128x64xf32, #tpu.memory_space<vmem>>
    %dma_wait3A_68 = arith.constant 384 : i32
    %dma_wait3A_69 = tpu.memref_slice %arg6[%dma_wait3A_68] : memref<18432xi32, #tpu.memory_space<vmem>> -> memref<128xi32, #tpu.memory_space<vmem>>
    %dma_wait3A_70 = arith.constant 0 : i32
    %dma_wait3A_71 = arith.constant 0 : i32
    %dma_wait3A_72 = tpu.memref_slice %arg5[%dma_wait3A_70, %dma_wait3A_71] : memref<64x64xf32, #tpu.memory_space<vmem_shared>> -> memref<64x64xf32, #tpu.memory_space<vmem_shared>>
    tpu.wait_indirect_dma semaphore(%arg10 : memref<!tpu.dma_semaphore, #tpu.memory_space<semaphore_mem>>) src(%dma_wait3A_72 : memref<64x64xf32, #tpu.memory_space<vmem_shared>>) dst(%dma_wait3A_67 : memref<128x64xf32, #tpu.memory_space<vmem>>)
    %add3A_73 = arith.constant 256 : i32
    %add3A_74 = arith.addi %mul3A_4, %add3A_73 : i32
    %dma_start3A_75 = arith.constant 0 : i32
    %dma_start3A_76 = tpu.memref_slice %arg4[%add3A_74, %dma_start3A_75] : memref<589824x64xf32, #tpu.memory_space<hbm>> -> memref<256x64xf32, #tpu.memory_space<hbm>>
    %dma_start3A_77 = arith.constant 0 : i32
    %dma_start3A_78 = tpu.memref_slice %arg4[%add3A_74, %dma_start3A_77] : memref<589824x64xf32, #tpu.memory_space<hbm>> -> memref<256x64xf32, #tpu.memory_space<hbm>>
    tpu.enqueue_dma source(%arg8 : memref<256x64xf32, #tpu.memory_space<vmem>>) target(%dma_start3A_78 : memref<256x64xf32, #tpu.memory_space<hbm>>) target_semaphore(%arg12 : memref<!tpu.dma_semaphore, #tpu.memory_space<semaphore_mem>>)
    %scan3A = arith.constant 0 : i32
    %scan3A_79 = arith.constant 35 : i32
    %scan3A_80 = arith.addi %scan3A, %scan3A_79 : i32
    %scan3A_81 = arith.constant 1 : i32
    scf.for %scan3A_91 = %scan3A to %scan3A_80 step %scan3A_81  : i32 {
      %mul3A_92 = arith.constant 2 : i32
      %mul3A_93 = arith.muli %scan3A_91, %mul3A_92 : i32
      %add3A_94 = arith.constant 2 : i32
      %add3A_95 = arith.addi %add3A_94, %mul3A_93 : i32
      %dma_wait3A_96 = arith.constant 0 : i32
      %dma_wait3A_97 = tpu.memref_slice %arg4[%mul3A_4, %dma_wait3A_96] : memref<589824x64xf32, #tpu.memory_space<hbm>> -> memref<256x64xf32, #tpu.memory_space<hbm>>
      %dma_wait3A_98 = arith.constant 0 : i32
      %dma_wait3A_99 = tpu.memref_slice %arg4[%mul3A_4, %dma_wait3A_98] : memref<589824x64xf32, #tpu.memory_space<hbm>> -> memref<256x64xf32, #tpu.memory_space<hbm>>
      tpu.wait_dma2 semaphore(%arg11 : memref<!tpu.dma_semaphore, #tpu.memory_space<semaphore_mem>>) src(%arg7 : memref<256x64xf32, #tpu.memory_space<vmem>>) dst(%dma_wait3A_99 : memref<256x64xf32, #tpu.memory_space<hbm>>)
      %add3A_100 = arith.constant 0 : i32
      %add3A_101 = arith.addi %add3A_95, %add3A_100 : i32
      %mul3A_102 = arith.constant 256 : i32
      %mul3A_103 = arith.muli %add3A_101, %mul3A_102 : i32
      %add3A_104 = arith.constant 0 : i32
      %add3A_105 = arith.addi %mul3A_103, %add3A_104 : i32
      %dma_start3A_106 = arith.constant 0 : i32
      %dma_start3A_107 = arith.constant 0 : i32
      %dma_start3A_108 = tpu.memref_slice %arg7[%dma_start3A_106, %dma_start3A_107] : memref<256x64xf32, #tpu.memory_space<vmem>> -> memref<128x64xf32, #tpu.memory_space<vmem>>
      %dma_start3A_109 = tpu.memref_slice %arg6[%add3A_105] : memref<18432xi32, #tpu.memory_space<vmem>> -> memref<128xi32, #tpu.memory_space<vmem>>
      %dma_start3A_110 = arith.constant 0 : i32
      %dma_start3A_111 = arith.constant 0 : i32
      %dma_start3A_112 = tpu.memref_slice %arg5[%dma_start3A_110, %dma_start3A_111] : memref<64x64xf32, #tpu.memory_space<vmem_shared>> -> memref<64x64xf32, #tpu.memory_space<vmem_shared>>
      tpu.enqueue_indirect_dma source(%dma_start3A_112 : memref<64x64xf32, #tpu.memory_space<vmem_shared>>) target(%dma_start3A_108 : memref<128x64xf32, #tpu.memory_space<vmem>>) offsets(%dma_start3A_109 : memref<128xi32, #tpu.memory_space<vmem>>) semaphore(%arg9 : memref<!tpu.dma_semaphore, #tpu.memory_space<semaphore_mem>>)
      %mul3A_113 = arith.constant 256 : i32
      %mul3A_114 = arith.muli %add3A_101, %mul3A_113 : i32
      %add3A_115 = arith.constant 128 : i32
      %add3A_116 = arith.addi %mul3A_114, %add3A_115 : i32
      %dma_start3A_117 = arith.constant 128 : i32
      %dma_start3A_118 = arith.constant 0 : i32
      %dma_start3A_119 = tpu.memref_slice %arg7[%dma_start3A_117, %dma_start3A_118] : memref<256x64xf32, #tpu.memory_space<vmem>> -> memref<128x64xf32, #tpu.memory_space<vmem>>
      %dma_start3A_120 = tpu.memref_slice %arg6[%add3A_116] : memref<18432xi32, #tpu.memory_space<vmem>> -> memref<128xi32, #tpu.memory_space<vmem>>
      %dma_start3A_121 = arith.constant 0 : i32
      %dma_start3A_122 = arith.constant 0 : i32
      %dma_start3A_123 = tpu.memref_slice %arg5[%dma_start3A_121, %dma_start3A_122] : memref<64x64xf32, #tpu.memory_space<vmem_shared>> -> memref<64x64xf32, #tpu.memory_space<vmem_shared>>
      tpu.enqueue_indirect_dma source(%dma_start3A_123 : memref<64x64xf32, #tpu.memory_space<vmem_shared>>) target(%dma_start3A_119 : memref<128x64xf32, #tpu.memory_space<vmem>>) offsets(%dma_start3A_120 : memref<128xi32, #tpu.memory_space<vmem>>) semaphore(%arg9 : memref<!tpu.dma_semaphore, #tpu.memory_space<semaphore_mem>>)
      %dma_wait3A_124 = arith.constant 0 : i32
      %dma_wait3A_125 = arith.constant 0 : i32
      %dma_wait3A_126 = tpu.memref_slice %arg7[%dma_wait3A_124, %dma_wait3A_125] : memref<256x64xf32, #tpu.memory_space<vmem>> -> memref<128x64xf32, #tpu.memory_space<vmem>>
      %dma_wait3A_127 = tpu.memref_slice %arg6[%add3A_105] : memref<18432xi32, #tpu.memory_space<vmem>> -> memref<128xi32, #tpu.memory_space<vmem>>
      %dma_wait3A_128 = arith.constant 0 : i32
      %dma_wait3A_129 = arith.constant 0 : i32
      %dma_wait3A_130 = tpu.memref_slice %arg5[%dma_wait3A_128, %dma_wait3A_129] : memref<64x64xf32, #tpu.memory_space<vmem_shared>> -> memref<64x64xf32, #tpu.memory_space<vmem_shared>>
      tpu.wait_indirect_dma semaphore(%arg9 : memref<!tpu.dma_semaphore, #tpu.memory_space<semaphore_mem>>) src(%dma_wait3A_130 : memref<64x64xf32, #tpu.memory_space<vmem_shared>>) dst(%dma_wait3A_126 : memref<128x64xf32, #tpu.memory_space<vmem>>)
      %dma_wait3A_131 = arith.constant 128 : i32
      %dma_wait3A_132 = arith.constant 0 : i32
      %dma_wait3A_133 = tpu.memref_slice %arg7[%dma_wait3A_131, %dma_wait3A_132] : memref<256x64xf32, #tpu.memory_space<vmem>> -> memref<128x64xf32, #tpu.memory_space<vmem>>
      %dma_wait3A_134 = tpu.memref_slice %arg6[%add3A_116] : memref<18432xi32, #tpu.memory_space<vmem>> -> memref<128xi32, #tpu.memory_space<vmem>>
      %dma_wait3A_135 = arith.constant 0 : i32
      %dma_wait3A_136 = arith.constant 0 : i32
      %dma_wait3A_137 = tpu.memref_slice %arg5[%dma_wait3A_135, %dma_wait3A_136] : memref<64x64xf32, #tpu.memory_space<vmem_shared>> -> memref<64x64xf32, #tpu.memory_space<vmem_shared>>
      tpu.wait_indirect_dma semaphore(%arg9 : memref<!tpu.dma_semaphore, #tpu.memory_space<semaphore_mem>>) src(%dma_wait3A_137 : memref<64x64xf32, #tpu.memory_space<vmem_shared>>) dst(%dma_wait3A_133 : memref<128x64xf32, #tpu.memory_space<vmem>>)
      %add3A_138 = arith.constant 0 : i32
      %add3A_139 = arith.addi %add3A_95, %add3A_138 : i32
      %mul3A_140 = arith.constant 256 : i32
      %mul3A_141 = arith.muli %add3A_139, %mul3A_140 : i32
      %add3A_142 = arith.addi %mul3A_4, %mul3A_141 : i32
      %dma_start3A_143 = arith.constant 0 : i32
      %dma_start3A_144 = tpu.memref_slice %arg4[%add3A_142, %dma_start3A_143] : memref<589824x64xf32, #tpu.memory_space<hbm>> -> memref<256x64xf32, #tpu.memory_space<hbm>>
      %dma_start3A_145 = arith.constant 0 : i32
      %dma_start3A_146 = tpu.memref_slice %arg4[%add3A_142, %dma_start3A_145] : memref<589824x64xf32, #tpu.memory_space<hbm>> -> memref<256x64xf32, #tpu.memory_space<hbm>>
      tpu.enqueue_dma source(%arg7 : memref<256x64xf32, #tpu.memory_space<vmem>>) target(%dma_start3A_146 : memref<256x64xf32, #tpu.memory_space<hbm>>) target_semaphore(%arg11 : memref<!tpu.dma_semaphore, #tpu.memory_space<semaphore_mem>>)
      %dma_wait3A_147 = arith.constant 0 : i32
      %dma_wait3A_148 = tpu.memref_slice %arg4[%mul3A_4, %dma_wait3A_147] : memref<589824x64xf32, #tpu.memory_space<hbm>> -> memref<256x64xf32, #tpu.memory_space<hbm>>
      %dma_wait3A_149 = arith.constant 0 : i32
      %dma_wait3A_150 = tpu.memref_slice %arg4[%mul3A_4, %dma_wait3A_149] : memref<589824x64xf32, #tpu.memory_space<hbm>> -> memref<256x64xf32, #tpu.memory_space<hbm>>
      tpu.wait_dma2 semaphore(%arg12 : memref<!tpu.dma_semaphore, #tpu.memory_space<semaphore_mem>>) src(%arg8 : memref<256x64xf32, #tpu.memory_space<vmem>>) dst(%dma_wait3A_150 : memref<256x64xf32, #tpu.memory_space<hbm>>)
      %add3A_151 = arith.constant 1 : i32
      %add3A_152 = arith.addi %add3A_95, %add3A_151 : i32
      %mul3A_153 = arith.constant 256 : i32
      %mul3A_154 = arith.muli %add3A_152, %mul3A_153 : i32
      %add3A_155 = arith.constant 0 : i32
      %add3A_156 = arith.addi %mul3A_154, %add3A_155 : i32
      %dma_start3A_157 = arith.constant 0 : i32
      %dma_start3A_158 = arith.constant 0 : i32
      %dma_start3A_159 = tpu.memref_slice %arg8[%dma_start3A_157, %dma_start3A_158] : memref<256x64xf32, #tpu.memory_space<vmem>> -> memref<128x64xf32, #tpu.memory_space<vmem>>
      %dma_start3A_160 = tpu.memref_slice %arg6[%add3A_156] : memref<18432xi32, #tpu.memory_space<vmem>> -> memref<128xi32, #tpu.memory_space<vmem>>
      %dma_start3A_161 = arith.constant 0 : i32
      %dma_start3A_162 = arith.constant 0 : i32
      %dma_start3A_163 = tpu.memref_slice %arg5[%dma_start3A_161, %dma_start3A_162] : memref<64x64xf32, #tpu.memory_space<vmem_shared>> -> memref<64x64xf32, #tpu.memory_space<vmem_shared>>
      tpu.enqueue_indirect_dma source(%dma_start3A_163 : memref<64x64xf32, #tpu.memory_space<vmem_shared>>) target(%dma_start3A_159 : memref<128x64xf32, #tpu.memory_space<vmem>>) offsets(%dma_start3A_160 : memref<128xi32, #tpu.memory_space<vmem>>) semaphore(%arg10 : memref<!tpu.dma_semaphore, #tpu.memory_space<semaphore_mem>>)
      %mul3A_164 = arith.constant 256 : i32
      %mul3A_165 = arith.muli %add3A_152, %mul3A_164 : i32
      %add3A_166 = arith.constant 128 : i32
      %add3A_167 = arith.addi %mul3A_165, %add3A_166 : i32
      %dma_start3A_168 = arith.constant 128 : i32
      %dma_start3A_169 = arith.constant 0 : i32
      %dma_start3A_170 = tpu.memref_slice %arg8[%dma_start3A_168, %dma_start3A_169] : memref<256x64xf32, #tpu.memory_space<vmem>> -> memref<128x64xf32, #tpu.memory_space<vmem>>
      %dma_start3A_171 = tpu.memref_slice %arg6[%add3A_167] : memref<18432xi32, #tpu.memory_space<vmem>> -> memref<128xi32, #tpu.memory_space<vmem>>
      %dma_start3A_172 = arith.constant 0 : i32
      %dma_start3A_173 = arith.constant 0 : i32
      %dma_start3A_174 = tpu.memref_slice %arg5[%dma_start3A_172, %dma_start3A_173] : memref<64x64xf32, #tpu.memory_space<vmem_shared>> -> memref<64x64xf32, #tpu.memory_space<vmem_shared>>
      tpu.enqueue_indirect_dma source(%dma_start3A_174 : memref<64x64xf32, #tpu.memory_space<vmem_shared>>) target(%dma_start3A_170 : memref<128x64xf32, #tpu.memory_space<vmem>>) offsets(%dma_start3A_171 : memref<128xi32, #tpu.memory_space<vmem>>) semaphore(%arg10 : memref<!tpu.dma_semaphore, #tpu.memory_space<semaphore_mem>>)
      %dma_wait3A_175 = arith.constant 0 : i32
      %dma_wait3A_176 = arith.constant 0 : i32
      %dma_wait3A_177 = tpu.memref_slice %arg8[%dma_wait3A_175, %dma_wait3A_176] : memref<256x64xf32, #tpu.memory_space<vmem>> -> memref<128x64xf32, #tpu.memory_space<vmem>>
      %dma_wait3A_178 = tpu.memref_slice %arg6[%add3A_156] : memref<18432xi32, #tpu.memory_space<vmem>> -> memref<128xi32, #tpu.memory_space<vmem>>
      %dma_wait3A_179 = arith.constant 0 : i32
      %dma_wait3A_180 = arith.constant 0 : i32
      %dma_wait3A_181 = tpu.memref_slice %arg5[%dma_wait3A_179, %dma_wait3A_180] : memref<64x64xf32, #tpu.memory_space<vmem_shared>> -> memref<64x64xf32, #tpu.memory_space<vmem_shared>>
      tpu.wait_indirect_dma semaphore(%arg10 : memref<!tpu.dma_semaphore, #tpu.memory_space<semaphore_mem>>) src(%dma_wait3A_181 : memref<64x64xf32, #tpu.memory_space<vmem_shared>>) dst(%dma_wait3A_177 : memref<128x64xf32, #tpu.memory_space<vmem>>)
      %dma_wait3A_182 = arith.constant 128 : i32
      %dma_wait3A_183 = arith.constant 0 : i32
      %dma_wait3A_184 = tpu.memref_slice %arg8[%dma_wait3A_182, %dma_wait3A_183] : memref<256x64xf32, #tpu.memory_space<vmem>> -> memref<128x64xf32, #tpu.memory_space<vmem>>
      %dma_wait3A_185 = tpu.memref_slice %arg6[%add3A_167] : memref<18432xi32, #tpu.memory_space<vmem>> -> memref<128xi32, #tpu.memory_space<vmem>>
      %dma_wait3A_186 = arith.constant 0 : i32
      %dma_wait3A_187 = arith.constant 0 : i32
      %dma_wait3A_188 = tpu.memref_slice %arg5[%dma_wait3A_186, %dma_wait3A_187] : memref<64x64xf32, #tpu.memory_space<vmem_shared>> -> memref<64x64xf32, #tpu.memory_space<vmem_shared>>
      tpu.wait_indirect_dma semaphore(%arg10 : memref<!tpu.dma_semaphore, #tpu.memory_space<semaphore_mem>>) src(%dma_wait3A_188 : memref<64x64xf32, #tpu.memory_space<vmem_shared>>) dst(%dma_wait3A_184 : memref<128x64xf32, #tpu.memory_space<vmem>>)
      %add3A_189 = arith.constant 1 : i32
      %add3A_190 = arith.addi %add3A_95, %add3A_189 : i32
      %mul3A_191 = arith.constant 256 : i32
      %mul3A_192 = arith.muli %add3A_190, %mul3A_191 : i32
      %add3A_193 = arith.addi %mul3A_4, %mul3A_192 : i32
      %dma_start3A_194 = arith.constant 0 : i32
      %dma_start3A_195 = tpu.memref_slice %arg4[%add3A_193, %dma_start3A_194] : memref<589824x64xf32, #tpu.memory_space<hbm>> -> memref<256x64xf32, #tpu.memory_space<hbm>>
      %dma_start3A_196 = arith.constant 0 : i32
      %dma_start3A_197 = tpu.memref_slice %arg4[%add3A_193, %dma_start3A_196] : memref<589824x64xf32, #tpu.memory_space<hbm>> -> memref<256x64xf32, #tpu.memory_space<hbm>>
      tpu.enqueue_dma source(%arg8 : memref<256x64xf32, #tpu.memory_space<vmem>>) target(%dma_start3A_197 : memref<256x64xf32, #tpu.memory_space<hbm>>) target_semaphore(%arg12 : memref<!tpu.dma_semaphore, #tpu.memory_space<semaphore_mem>>)
    }
    %scan3A_82 = arith.constant 35 : i32
    %dma_wait3A_83 = arith.constant 0 : i32
    %dma_wait3A_84 = tpu.memref_slice %arg4[%mul3A_4, %dma_wait3A_83] : memref<589824x64xf32, #tpu.memory_space<hbm>> -> memref<256x64xf32, #tpu.memory_space<hbm>>
    %dma_wait3A_85 = arith.constant 0 : i32
    %dma_wait3A_86 = tpu.memref_slice %arg4[%mul3A_4, %dma_wait3A_85] : memref<589824x64xf32, #tpu.memory_space<hbm>> -> memref<256x64xf32, #tpu.memory_space<hbm>>
    tpu.wait_dma2 semaphore(%arg11 : memref<!tpu.dma_semaphore, #tpu.memory_space<semaphore_mem>>) src(%arg7 : memref<256x64xf32, #tpu.memory_space<vmem>>) dst(%dma_wait3A_86 : memref<256x64xf32, #tpu.memory_space<hbm>>)
    %dma_wait3A_87 = arith.constant 0 : i32
    %dma_wait3A_88 = tpu.memref_slice %arg4[%mul3A_4, %dma_wait3A_87] : memref<589824x64xf32, #tpu.memory_space<hbm>> -> memref<256x64xf32, #tpu.memory_space<hbm>>
    %dma_wait3A_89 = arith.constant 0 : i32
    %dma_wait3A_90 = tpu.memref_slice %arg4[%mul3A_4, %dma_wait3A_89] : memref<589824x64xf32, #tpu.memory_space<hbm>> -> memref<256x64xf32, #tpu.memory_space<hbm>>
    tpu.wait_dma2 semaphore(%arg12 : memref<!tpu.dma_semaphore, #tpu.memory_space<semaphore_mem>>) src(%arg8 : memref<256x64xf32, #tpu.memory_space<vmem>>) dst(%dma_wait3A_90 : memref<256x64xf32, #tpu.memory_space<hbm>>)
    return
  }
}

module attributes {stable_mosaic.version = 14 : i64} {
  func.func @_mlp_table_body(%arg0: memref<64x16xf32, #tpu.memory_space<vmem>>, %arg1: memref<16x64xf32, #tpu.memory_space<vmem>>, %arg2: memref<1x64xf32, #tpu.memory_space<vmem>>, %arg3: memref<64x64xf32, #tpu.memory_space<vmem>>, %arg4: memref<1x64xf32, #tpu.memory_space<vmem>>, %arg5: memref<1x64xf32, #tpu.memory_space<vmem>>, %arg6: memref<64x64xf32, #tpu.memory_space<vmem>>) attributes {dimension_semantics = [], scalar_prefetch = 0 : i64, scratch_operands = 0 : i64, tpu.core_type = #tpu.core_type<tc>} {
    %get3A = arith.constant 0 : index
    %get3A_0 = arith.constant 0 : index
    %get3A_1 = vector.load %arg0[%get3A, %get3A_0] : memref<64x16xf32, #tpu.memory_space<vmem>>, vector<64x16xf32>
    %get3A_2 = arith.constant 0 : index
    %get3A_3 = arith.constant 0 : index
    %get3A_4 = vector.load %arg1[%get3A_2, %get3A_3] : memref<16x64xf32, #tpu.memory_space<vmem>>, vector<16x64xf32>
    %dot_general3A = arith.constant dense<0.000000e+00> : vector<64x64xf32>
    %dot_general3A_5 = tpu.matmul %get3A_1, %get3A_4, %dot_general3A {dimension_numbers = #tpu.dot_dimension_numbers<[1], [0], [0], [1], [0, 0, 1, 1], [], []>, transpose_lhs_hint = false} : vector<64x16xf32>, vector<16x64xf32>, vector<64x64xf32> -> vector<64x64xf32>
    %get3A_6 = arith.constant 0 : index
    %get3A_7 = arith.constant 0 : index
    %get3A_8 = vector.load %arg2[%get3A_6, %get3A_7] : memref<1x64xf32, #tpu.memory_space<vmem>>, vector<1x64xf32>
    %add3A = vector.broadcast %get3A_8 : vector<1x64xf32> to vector<64x64xf32>
    %add3A_9 = arith.addf %dot_general3A_5, %add3A : vector<64x64xf32>
    %integer_pow3A = arith.mulf %add3A_9, %add3A_9 : vector<64x64xf32>
    %integer_pow3A_10 = arith.mulf %add3A_9, %integer_pow3A : vector<64x64xf32>
    %mul3A = arith.constant 4.471500e-02 : f32
    %mul3A_11 = vector.broadcast %mul3A : f32 to vector<64x64xf32>
    %mul3A_12 = arith.mulf %mul3A_11, %integer_pow3A_10 : vector<64x64xf32>
    %add3A_13 = arith.addf %add3A_9, %mul3A_12 : vector<64x64xf32>
    %mul3A_14 = arith.constant 0.797884583 : f32
    %mul3A_15 = vector.broadcast %mul3A_14 : f32 to vector<64x64xf32>
    %mul3A_16 = arith.mulf %mul3A_15, %add3A_13 : vector<64x64xf32>
    %tanh3A = math.tanh %mul3A_16 : vector<64x64xf32>
    %add3A_17 = arith.constant 1.000000e+00 : f32
    %add3A_18 = vector.broadcast %add3A_17 : f32 to vector<64x64xf32>
    %add3A_19 = arith.addf %add3A_18, %tanh3A : vector<64x64xf32>
    %mul3A_20 = arith.constant 5.000000e-01 : f32
    %mul3A_21 = vector.broadcast %mul3A_20 : f32 to vector<64x64xf32>
    %mul3A_22 = arith.mulf %mul3A_21, %add3A_19 : vector<64x64xf32>
    %mul3A_23 = arith.mulf %add3A_9, %mul3A_22 : vector<64x64xf32>
    %get3A_24 = arith.constant 0 : index
    %get3A_25 = arith.constant 0 : index
    %get3A_26 = vector.load %arg3[%get3A_24, %get3A_25] : memref<64x64xf32, #tpu.memory_space<vmem>>, vector<64x64xf32>
    %dot_general3A_27 = arith.constant dense<0.000000e+00> : vector<64x64xf32>
    %dot_general3A_28 = tpu.matmul %mul3A_23, %get3A_26, %dot_general3A_27 {dimension_numbers = #tpu.dot_dimension_numbers<[1], [0], [0], [1], [0, 0, 1, 1], [], []>, transpose_lhs_hint = false} : vector<64x64xf32>, vector<64x64xf32>, vector<64x64xf32> -> vector<64x64xf32>
    %reduce_sum3A = arith.constant dense<0.000000e+00> : vector<64xf32>
    %reduce_sum3A_29 = vector.multi_reduction <add>, %dot_general3A_28, %reduce_sum3A [1] : vector<64x64xf32> to vector<64xf32>
    %broadcast_in_dim3A = vector.shape_cast %reduce_sum3A_29 : vector<64xf32> to vector<64x1xf32>
    %div3A = arith.constant 6.400000e+01 : f32
    %div3A_30 = vector.broadcast %div3A : f32 to vector<64x1xf32>
    %div3A_31 = arith.divf %broadcast_in_dim3A, %div3A_30 : vector<64x1xf32>
    %sub3A = vector.broadcast %div3A_31 : vector<64x1xf32> to vector<64x64xf32>
    %sub3A_32 = arith.subf %dot_general3A_28, %sub3A : vector<64x64xf32>
    %mul3A_33 = arith.mulf %sub3A_32, %sub3A_32 : vector<64x64xf32>
    %reduce_sum3A_34 = arith.constant dense<0.000000e+00> : vector<64xf32>
    %reduce_sum3A_35 = vector.multi_reduction <add>, %mul3A_33, %reduce_sum3A_34 [1] : vector<64x64xf32> to vector<64xf32>
    %broadcast_in_dim3A_36 = vector.shape_cast %reduce_sum3A_35 : vector<64xf32> to vector<64x1xf32>
    %div3A_37 = arith.constant 6.400000e+01 : f32
    %div3A_38 = vector.broadcast %div3A_37 : f32 to vector<64x1xf32>
    %div3A_39 = arith.divf %broadcast_in_dim3A_36, %div3A_38 : vector<64x1xf32>
    %add3A_40 = arith.constant 9.99999997E-7 : f32
    %add3A_41 = vector.broadcast %add3A_40 : f32 to vector<64x1xf32>
    %add3A_42 = arith.addf %div3A_39, %add3A_41 : vector<64x1xf32>
    %rsqrt3A = math.rsqrt %add3A_42 : vector<64x1xf32>
    %mul3A_43 = vector.broadcast %rsqrt3A : vector<64x1xf32> to vector<64x64xf32>
    %mul3A_44 = arith.mulf %sub3A_32, %mul3A_43 : vector<64x64xf32>
    %get3A_45 = arith.constant 0 : index
    %get3A_46 = arith.constant 0 : index
    %get3A_47 = vector.load %arg4[%get3A_45, %get3A_46] : memref<1x64xf32, #tpu.memory_space<vmem>>, vector<1x64xf32>
    %mul3A_48 = vector.broadcast %get3A_47 : vector<1x64xf32> to vector<64x64xf32>
    %mul3A_49 = arith.mulf %mul3A_44, %mul3A_48 : vector<64x64xf32>
    %get3A_50 = arith.constant 0 : index
    %get3A_51 = arith.constant 0 : index
    %get3A_52 = vector.load %arg5[%get3A_50, %get3A_51] : memref<1x64xf32, #tpu.memory_space<vmem>>, vector<1x64xf32>
    %add3A_53 = vector.broadcast %get3A_52 : vector<1x64xf32> to vector<64x64xf32>
    %add3A_54 = arith.addf %mul3A_49, %add3A_53 : vector<64x64xf32>
    %swap3A = arith.constant 0 : index
    %swap3A_55 = arith.constant 0 : index
    %swap3A_56 = vector.load %arg6[%swap3A, %swap3A_55] : memref<64x64xf32, #tpu.memory_space<vmem>>, vector<64x64xf32>
    tpu.vector_store %arg6[%swap3A, %swap3A_55], %add3A_54 {strides = array<i32>} : memref<64x64xf32, #tpu.memory_space<vmem>>, vector<64x64xf32>,
    return
  }
}

</mosaic_0001>

<sc_bundles>
// kernel: kernel.4.cloned.1.call-start
scs
__scs_entry_jumppad:
0x0: {  	(pc) =	sbr.rel $0x88, $3  }
0x1: {  	(tag) =	ssettag $0x0;
	lr =	simm.s32 $0x1  }
0x2: {  	[smem:$0x3F9A] =	sst lr;
	_ =	strace $0xD0000000  }
0x3: {  	_ = 	snop  }
0x4: {  	_ = 	snop  }
0x5: {  	_ = 	snop  }
0x6: {  	_ = 	snop  }
0x7: {  	_ = 	snop  }
__scs_overlays_trampoline_lowered:
0x8: {  	[smem:$0x3FA9] =	sst s0  }
0x9: {  	[smem:$0x3FAA] =	sst s1  }
0xa: {  	[smem:$0x3FAB] =	sst s2  }
0xb: {  	[smem:$0x3FAC] =	sst s3  }
0xc: {  	[smem:$0x3FAD] =	sst s4  }
0xd: {  	[smem:$0x3FAE] =	sst s5  }
0xe: {  	[smem:$0x3FAF] =	sst s6  }
0xf: {  	[smem:$0x3FB0] =	sst s7  }
0x10: {  	[smem:$0x3FB1] =	sst s8  }
0x11: {  	[smem:$0x3FB2] =	sst s9;
	s0 =	simm.s32 @!p0 $0x0  }
0x12: {  	s1 =	sld [smem:$0x3F98];
	s0 =	simm.s32 @p0 $0x1  }
0x13: {  	[smem:$0x3FB3] =	sst s0;
	s0 =	simm.s32 @!p1 $0x0  }
0x14: {  	s2 =	sld [smem:$0x3F97];
	s0 =	simm.s32 @p1 $0x1  }
0x15: {  	[smem:$0x3FB4] =	sst s0;
	s0 =	simm.s32 @!p2 $0x0  }
0x16: {  	s3 =	sld [smem:$0x3FDB];
	s0 =	simm.s32 @p2 $0x1  }
0x17: {  	s4 =	simm.s32 $0x1BF5;
	[smem:$0x3FB6] =	sst s0  }
0x18: {  	s0 =	sld [smem:$0x3F99];
	_ =	swait.ge [sflag:s4], $0x0  }
0x19: {  	s7 =	sld [smem:$0x3F9A]  }
0x1a: {  	s8 =	sadd.s32 $0xFFFFE003, lr  }
0x1b: {  	s9 =	sadd.s32 $0xFFFFFEF7, lr;
	s5 =	simm.s32 $0xFFFFFFFF;
	p2 =	slt.u32 s8, $0xFFFFF086  }
0x1c: {  	p1 =	slt.u32 s9, $0xF7A;
	s5 =	simm.s32 @!p2 $0x0  }
0x1d: {  	s5 =	simm.s32 @p1 $0x1;
	p0 =	seq.s32 s7, s2  }
0x1e: {  	s7 =	smul.u32 @!p0 $0xF7A, s2;
	p2 =	seq.s32 @!p0 s5, $0x0  }
0x1f: {  	s9 =	smul.u32 $0xF7A, s1;
	s8 =	simm.s32 @!p0 $0x1BF5;
	p2 =	por !p2, p0  }
0x20: {  	[sflag:s8] =	ssyncset.s32 @!p0 $0xFFFFF086;
	s6 =	sadd.s32 @!p0 s3, s7;
	s7 =	simm.s32 @!p0 $0x108  }
0x21: {  	s3 =	sadd.s32 s3, s9;
	s6 =	sadd.s32 @!p0 $0x88, s6;
	s7 =	simm.s32 @p2 $0x1082  }
0x22: {  	[simem:s7], [sflag:s8] =	dma.local @!p0 [hbm:s6], $0xF7A  }
0x23: {  	s9 =	sor.u32 $0xD0000000, s2;
	s6 =	simm.s32 $0x108;
	_ =	swait.ge @!p0 [sflag:s8], $0x0  }
0x24: {  	s3 =	sadd.s32 $0x88, s3;
	s6 =	simm.s32 @!p1 $0x1082;
	[sflag:s4] =	ssyncset.s32 $0xFFFFF086  }
0x25: {  	[simem:s6], [sflag:s4] =	dma.local [hbm:s3], $0xF7A  }
0x26: {  	[smem:$0x3F9A] =	sst s1;
	(tag) =	ssettag s2;
	_ =	strace s9  }
0x27: {  	s1 =	sld [smem:$0x3FAA]  }
0x28: {  	s2 =	sld [smem:$0x3FAB]  }
0x29: {  	s4 =	sld [smem:$0x3FAD]  }
0x2a: {  	p0 =	seq.s32 s5, $0x0;
	s5 =	sld [smem:$0x3FAE]  }
0x2b: {  	s6 =	sld [smem:$0x3FAF]  }
0x2c: {  	s7 =	sld [smem:$0x3FB0]  }
0x2d: {  	s3 =	simm.s32 $0x108;
	s8 =	sld [smem:$0x3FB1]  }
0x2e: {  	s3 =	simm.s32 @!p0 $0x1082;
	s9 =	sld [smem:$0x3FB2]  }
0x2f: {  	lr =	sadd.s32 s0, s3;
	s0 =	sld [smem:$0x3FA9]  }
0x30: {  	s3 =	sld [smem:$0x3FAC]  }
0x31: {  	[smem:$0x3FB5] =	sst s10  }
0x32: {  	s10 =	sld [smem:$0x3FB3];
	_ =	sdelay $0x3  }
0x33: {  	p0 =	seq.s32 s10, $0x1;
	s10 =	sld [smem:$0x3FB5];
	_ =	sdelay $0x3  }
0x34: {  	[smem:$0x3FB5] =	sst s10  }
0x35: {  	s10 =	sld [smem:$0x3FB4];
	_ =	sdelay $0x3  }
0x36: {  	p1 =	seq.s32 s10, $0x1;
	s10 =	sld [smem:$0x3FB5];
	_ =	sdelay $0x3  }
0x37: {  	[smem:$0x3FB5] =	sst s10  }
0x38: {  	s10 =	sld [smem:$0x3FB6]  }
0x39: {  	_ = 	snop;
	(pc) =	sbr.ind lr, $3  }
0x3a: {  	_ = 	snop  }
0x3b: {  	_ = 	snop  }
0x3c: {  	p2 =	seq.s32 s10, $0x1;
	s10 =	sld [smem:$0x3FB5]  }
0x3d: {  	_ =	shalt  }
0x3e: {  	_ =	shalt  }
0x3f: {  	_ =	shalt  }
0x40: {  	_ =	shalt  }
0x41: {  	_ =	shalt  }
0x42: {  	_ =	shalt  }
0x43: {  	_ =	shalt  }
0x44: {  	_ =	shalt  }
0x45: {  	_ =	shalt  }
0x46: {  	_ =	shalt  }
0x47: {  	_ =	shalt  }
0x48: {  	_ =	shalt  }
0x49: {  	_ =	shalt  }
0x4a: {  	_ =	shalt  }
0x4b: {  	_ =	shalt  }
0x4c: {  	_ =	shalt  }
0x4d: {  	_ =	shalt  }
0x4e: {  	_ =	shalt  }
0x4f: {  	_ =	shalt  }
0x50: {  	_ =	shalt  }
0x51: {  	_ =	shalt  }
0x52: {  	_ =	shalt  }
0x53: {  	_ =	shalt  }
0x54: {  	_ =	shalt  }
0x55: {  	_ =	shalt  }
0x56: {  	_ =	shalt  }
0x57: {  	_ =	shalt  }
0x58: {  	_ =	shalt  }
0x59: {  	_ =	shalt  }
0x5a: {  	_ =	shalt  }
0x5b: {  	_ =	shalt  }
0x5c: {  	_ =	shalt  }
0x5d: {  	_ =	shalt  }
0x5e: {  	_ =	shalt  }
0x5f: {  	_ =	shalt  }
0x60: {  	_ =	shalt  }
0x61: {  	_ =	shalt  }
0x62: {  	_ =	shalt  }
0x63: {  	_ =	shalt  }
0x64: {  	_ =	shalt  }
0x65: {  	_ =	shalt  }
0x66: {  	_ =	shalt  }
0x67: {  	_ =	shalt  }
0x68: {  	_ =	shalt  }
0x69: {  	_ =	shalt  }
0x6a: {  	_ =	shalt  }
0x6b: {  	_ =	shalt  }
0x6c: {  	_ =	shalt  }
0x6d: {  	_ =	shalt  }
0x6e: {  	_ =	shalt  }
0x6f: {  	_ =	shalt  }
0x70: {  	_ =	shalt  }
0x71: {  	_ =	shalt  }
0x72: {  	_ =	shalt  }
0x73: {  	_ =	shalt  }
0x74: {  	_ =	shalt  }
0x75: {  	_ =	shalt  }
0x76: {  	_ =	shalt  }
0x77: {  	_ =	shalt  }
0x78: {  	_ =	shalt  }
0x79: {  	_ =	shalt  }
0x7a: {  	_ =	shalt  }
0x7b: {  	_ =	shalt  }
0x7c: {  	_ =	shalt  }
0x7d: {  	_ =	shalt  }
0x7e: {  	_ =	shalt  }
0x7f: {  	_ =	shalt  }
0x80: {  	_ =	shalt  }
0x81: {  	_ =	shalt  }
0x82: {  	_ =	shalt  }
0x83: {  	_ =	shalt  }
0x84: {  	_ =	shalt  }
0x85: {  	_ =	shalt  }
0x86: {  	_ =	shalt  }
0x87: {  	_ =	shalt  }
.Lfunc_end0:
.L_simem_size_0:
called_computation.1_lowered:
.L_overlay_start_0:
0x88: {  	s2 =	sld [smem:$0x3FD9]  }
0x89: {  	s3 =	sld [smem:$0x3FFE];
	_ =	sdelay $0x1  }
0x8a: {  	s1 =	srdreg.scid  }
0x8b: {  	s0 =	sand.u32 $0x1, s1  }
0x8c: {  	s17 =	sshll.u32 s0, $0xA;
	s2 =	sadd.s32 s3, s2  }
0x8d: {  	s2 =	sadd.s32 s2, s17  }
0x8e: {  	[smem:$0x3FC1] =	sst s2  }
0x8f: {  	_ = 	snop  }
0x90: {  	s2 =	sld [smem:$0x3FD0];
	(tm) =	ssettm $0x1  }
0x91: {  	s18 =	sld [smem:$0x3FFB];
	_ =	sdelay $0x3  }
0x92: {  	_ =	strace s18  }
0x93: {  	s3 =	sld [smem:$0x3FFC];
	_ =	sdelay $0x3  }
0x94: {  	_ =	strace s3  }
0x95: {  	s3 =	sld [smem:$0x3FFD];
	_ =	sdelay $0x3  }
0x96: {  	_ =	strace s3  }
0x97: {  	_ =	strace $0x8FFFFFFF  }
0x98: {  	s19 =	sld [smem:$0x3FDB];
	_ =	sdelay $0x1  }
0x99: {  	s4 =	simm.s32 $_scs_section_size  }
0x9a: {  	s5 =	simm.s32 $_size__tile_overlayer_lowered;
	s6 =	simm.s32 $_tile_overlayer_lowered  }
0x9b: {  	s22 =	simm.s32 $0x1BFF;
	s21 =	sshll.u32 s6, $0x1;
	s3 =	sadd.s32 s4, s19  }
0x9c: {  	s7 =	simm.s32 $0x0;
	s20 =	sshll.u32 s5, $0x1;
	s5 =	sadd.s32 s21, s3  }
0x9d: {  	[timem:s7], [sflag:s22] =	dma.local [hbm:s5], s20  }
0x9e: {  	_ =	swait.ge [sflag:s22], s20  }
0x9f: {  	s4 =	ssub.s32 $0x0, s20;
	[sflag:s22] =	ssyncset.done $0x0  }
0xa0: {  	[sflag:s22] =	ssyncadd.s32 s4;
	_ =	sdelay $0x1  }
0xa1: {  	s23 =	simm.s32 $0x1B8B  }
0xa2: {  	_ =	swait.ge [sflag:s23], $0x1  }
0xa3: {  	[sflag:s23] =	ssyncset.done $0x0  }
0xa4: {  	s25 =	simm.s32 $0x1B8E;
	s24 =	sld [smem:$0x3FFE];
	[sflag:s23] =	ssyncadd.s32 $0xFFFFFFFF  }
0xa5: {  	s26 =	simm.s32 $execute0_lowered;
	[smem:$0x3FD2] =	sst s25  }
0xa6: {  	s5 =	sshll.u32 s26, $0x1;
	_ =	strace $0x80000046;
	[dreg:$0x1] =	wrdreg $0xFFFFFFFF  }
0xa7: {  	s28 =	simm.s32 $_size_execute0_lowered;
	s3 =	sadd.s32 s3, s5;
	[dreg:$0x0] =	wrdreg $0x0  }
0xa8: {  	s5 =	sshll.u32 s28, $0x1;
	[dreg:$0x2] =	wrdreg s3  }
0xa9: {  	[dreg:$0x3] =	wrdreg s5  }
0xaa: {  	[dreg:$0x4] =	wrdreg $0xC0  }
0xab: {  	_ =	task [dreg:s7], $0x5FFFF  }
0xac: {  	[dreg:$0x1] =	wrdreg $0xFFFFFFFF  }
0xad: {  	[dreg:$0x0] =	wrdreg $0x60  }
0xae: {  	[dreg:$0x2] =	wrdreg s24  }
0xaf: {  	[dreg:$0x3] =	wrdreg s2  }
0xb0: {  	[dreg:$0x4] =	wrdreg $0x0  }
0xb1: {  	[dreg:$0x5] =	wrdreg $0x9  }
0xb2: {  	_ =	task.clear_ibuf [dreg:s7], $0x6FFFF;
	_ =	strace $0x90000046  }
0xb3: {  	s29 =	simm.s32 $0x9;
	_ =	strace $0x80000048  }
0xb4: {  	_ =	swait.ge [sflag:s29], $0x1  }
0xb5: {  	[sflag:s29] =	ssyncadd.s32 $0xFFFFFFFF  }
0xb6: {  	_ =	strace $0x90000048  }
0xb7: {  	_ =	sfence  }
0xb8: {  	s30 =	sld [smem:$0x0];
	_ =	sdelay $0x2  }
0xb9: {  	s31 =	sshll.u32 s1, $0xD;
	s1 =	sshrl.u32 s1, $0x2  }
0xba: {  	s3 =	sand.u32 $0x4000, s31;
	s1 =	sadd.s32 s1, s30  }
0xbb: {  	s0 =	sor.u32 s3, s0;
	s1 =	sshll.u32 s1, $0x11  }
0xbc: {  	s0 =	sor.u32 s1, s0  }
0xbd: {  	s0 =	sadd.s32 $0x8F2B, s0  }
0xbe: {  	[sflag:s0] =	ssyncadd.remote.s32 $0x1  }
0xbf: {  	_ =	sfence.sel $0xFFFF  }
0xc0: {  	[dreg:$0x0] =	wrdreg $0xFFFFFFFF;
	(pc) =	sbr.abs _section_cstart, $3  }
0xc1: {  	[dreg:$0x1] =	wrdreg $0xFFFFFFFF  }
0xc2: {  	_ =	task.clear_ibuf [dreg:s7], $0x2FFFF;
	_ =	strace $0x9FFFFFFF  }
0xc3: {  	(tm) =	ssettm $0x7FFFFFFF  }
tec
execute0_lowered:
.L_overlay_start_1:
0x0: {  	(tag) =	ssettag $0x1  }
0x1: {  	s4 =	rddreg [dreg:$0x0]  }
0x2: {  	s5 =	rddreg [dreg:$0x1]  }
0x3: {  	s1 =	rddreg [dreg:$0x2]  }
0x4: {  	s0 =	rddreg [dreg:$0x3]  }
0x5: {  	s3 =	srdreg.scid;
	s7 =	stileid.u32;
	s2 =	simm.s32 $0x0  }
0x6: {  	s13 =	simm.s32 $0x4900;
	s14 =	simm.s32 $0x180;
	s15 =	simm.s32 $0x8900  }
0x7: {  	s16 =	simm.s32 $0x1;
	s17 =	simm.s32 $0x200;
	s18 =	simm.s32 $0xC900  }
0x8: {  	s19 =	simm.s32 $0x280;
	s20 =	simm.s32 $0x10900;
	s21 =	simm.s32 $0x2  }
0x9: {  	s22 =	simm.s32 $0x3;
	s23 =	simm.s32 $0x4;
	s24 =	simm.s32 $0x0  }
0xa: {  	s6 =	sand.u32 $0x1, s3;
	s26 =	sshll.u32 s7, $0x1;
	[smem:$0x7FF] =	sst s2  }
0xb: {  	s3 =	sadd.s32 $0x1400, s4;
	s11 =	sadd.s32 $0x1800, s4;
	s12 =	smul.u32 $0x90000, s7  }
0xc: {  	p0 =	sne.s32 s7, $0x0;
	s8 =	sor.u32 s6, s26;
	s30 =	smul.u32 $0x48000, s6  }
0xd: {  	_ =	strace $0x80000047;
	s10 =	ssub.s32 $0x2, s6;
	s9 =	smul.u32 $0x4800, s8  }
0xe: {  	s8 =	smul.u32 $0x48000, s8;
	s28 =	sshrl.u32 s10, $0x1;
	s31 =	sadd.s32 s12, s11  }
0xf: {  	s12 =	simm.s32 $0x80;
	s10 =	ssub.s32 s10, s28;
	s29 =	sshrl.u32 s9, $0x3  }
0x10: {  	s7 =	smax.u32 s10, $0x1;
	s9 =	sshrl.u32 @!p0 s1, $0x3;
	s10 =	simm.s32 $0x100  }
0x11: {  	s4 =	sadd.s32 s5, s29;
	s5 =	sadd.s32 s11, s8;
	s8 =	sadd.s32 s30, s31  }
0x12: {  	s11 =	simm.s32 $0x5;
	s6 =	sadd.s32 $0x1000, s5;
	s8 =	sadd.s32 $0x3000, s8  }
.LBB2_1:
0x13: {  	s25 =	simm.s32 @!p0 $0x1C05  }
0x14: {  	[spmem:s9], [sflag:s25] =	dma.local @!p0 [hbm:s3], $0x400  }
0x15: {  	s25 =	simm.s32 @!p0 $0x5  }
0x16: {  	_ =	swait.ge @!p0 [sflag:s25], $0x400  }
0x17: {  	[sflag:s25] =	ssyncset.done @!p0 $0x0  }
0x18: {  	[sflag:s25] =	ssyncadd.s32 @!p0 $0xFFFFFC00  }
0x19: {  	[bflag:$0x0] =	sbarrier.arrive $0xFFFF  }
0x1a: {  	[tilespmem:s10], [sflag:$0x5] =	stream.linear.gather [hbm4b:s4+s2], $0x4800, $0x38;
	[tilespmem:$0x14900] =	vst v63  }
0x1b: {  	_ =	swait.ge [sflag:s11], $0x4800  }
0x1c: {  	[sflag:s11] =	ssyncset.done $0x0  }
0x1d: {  	[sflag:s11] =	ssyncadd.s32 $0xFFFFB800  }
0x1e: {  	[tilespmem:s13], [sflag:$0x1] =	stream.indirect.gather [spmem:s1], $0x40, s10, s12, $0xb8;
	[tilespmem:$0x14900] =	vst v63  }
0x1f: {  	_ = 	snop  }
0x20: {  	[tilespmem:s15], [sflag:$0x1] =	stream.indirect.gather [spmem:s1], $0x40, s14, s12, $0xb8;
	[tilespmem:$0x14900] =	vst v63  }
0x21: {  	_ =	swait.ge [sflag:s16], $0x2000  }
0x22: {  	[sflag:s16] =	ssyncset.done $0x0  }
0x23: {  	[sflag:s16] =	ssyncadd.s32 $0xFFFFE000  }
0x24: {  	_ =	swait.ge [sflag:s16], $0x2000  }
0x25: {  	[sflag:s16] =	ssyncset.done $0x0  }
0x26: {  	[sflag:s16] =	ssyncadd.s32 $0xFFFFE000  }
0x27: {  	[hbm4b:s5+s2] =	stream.linear.scatter [tilespmem:s13], [sflag:$0x3], $0x8000, $0x38;
	[tilespmem:$0x14900] =	vst v63  }
0x28: {  	_ = 	snop  }
0x29: {  	[tilespmem:s18], [sflag:$0x2] =	stream.indirect.gather [spmem:s1], $0x40, s17, s12, $0xb8;
	[tilespmem:$0x14900] =	vst v63  }
0x2a: {  	_ = 	snop  }
0x2b: {  	[tilespmem:s20], [sflag:$0x2] =	stream.indirect.gather [spmem:s1], $0x40, s19, s12, $0xb8;
	[tilespmem:$0x14900] =	vst v63  }
0x2c: {  	_ =	swait.ge [sflag:s21], $0x2000  }
0x2d: {  	[sflag:s21] =	ssyncset.done $0x0  }
0x2e: {  	[sflag:s21] =	ssyncadd.s32 $0xFFFFE000  }
0x2f: {  	_ =	swait.ge [sflag:s21], $0x2000  }
0x30: {  	[sflag:s21] =	ssyncset.done $0x0  }
0x31: {  	[sflag:s21] =	ssyncadd.s32 $0xFFFFE000  }
0x32: {  	[hbm4b:s6+s2] =	stream.linear.scatter [tilespmem:s18], [sflag:$0x4], $0x8000, $0x38;
	[tilespmem:$0x14900] =	vst v63  }
0x33: {  	_ =	swait.ge [sflag:s22], $0x8000  }
0x34: {  	[sflag:s22] =	ssyncset.done $0x0  }
0x35: {  	s31 =	simm.s32 $0x300;
	[sflag:s22] =	ssyncadd.s32 $0xFFFF8000  }
0x36: {  	[tilespmem:s13], [sflag:$0x1] =	stream.indirect.gather [spmem:s1], $0x40, s31, s12, $0xb8;
	[tilespmem:$0x14900] =	vst v63  }
0x37: {  	s26 =	simm.s32 $0x380  }
0x38: {  	[tilespmem:s15], [sflag:$0x1] =	stream.indirect.gather [spmem:s1], $0x40, s26, s12, $0xb8;
	[tilespmem:$0x14900] =	vst v63  }
0x39: {  	_ =	swait.ge [sflag:s16], $0x2000  }
0x3a: {  	[sflag:s16] =	ssyncset.done $0x0  }
0x3b: {  	[sflag:s16] =	ssyncadd.s32 $0xFFFFE000  }
0x3c: {  	_ =	swait.ge [sflag:s16], $0x2000  }
0x3d: {  	[sflag:s16] =	ssyncset.done $0x0  }
0x3e: {  	s29 =	sadd.s32 $0xFFFFF000, s8;
	[sflag:s16] =	ssyncadd.s32 $0xFFFFE000  }
0x3f: {  	[hbm4b:s29+s2] =	stream.linear.scatter [tilespmem:s13], [sflag:$0x3], $0x8000, $0x38;
	[tilespmem:$0x14900] =	vst v63  }
0x40: {  	_ =	swait.ge [sflag:s23], $0x8000  }
0x41: {  	[sflag:s23] =	ssyncset.done $0x0  }
0x42: {  	s30 =	simm.s32 $0x400;
	[sflag:s23] =	ssyncadd.s32 $0xFFFF8000  }
0x43: {  	[tilespmem:s18], [sflag:$0x2] =	stream.indirect.gather [spmem:s1], $0x40, s30, s12, $0xb8;
	[tilespmem:$0x14900] =	vst v63  }
0x44: {  	s31 =	simm.s32 $0x480  }
0x45: {  	[tilespmem:s20], [sflag:$0x2] =	stream.indirect.gather [spmem:s1], $0x40, s31, s12, $0xb8;
	[tilespmem:$0x14900] =	vst v63  }
0x46: {  	_ =	swait.ge [sflag:s21], $0x2000  }
0x47: {  	[sflag:s21] =	ssyncset.done $0x0  }
0x48: {  	[sflag:s21] =	ssyncadd.s32 $0xFFFFE000  }
0x49: {  	_ =	swait.ge [sflag:s21], $0x2000  }
0x4a: {  	s28 =	smov.u32 s8;
	[sflag:s21] =	ssyncset.done $0x0  }
0x4b: {  	s25 =	simm.s32 $0x800;
	s26 =	sadd.s32 $0x2000, s8;
	[sflag:s21] =	ssyncadd.s32 $0xFFFFE000  }
.LBB2_2:
0x4c: {  	[hbm4b:s28+s2] =	stream.linear.scatter [tilespmem:s18], [sflag:$0x4], $0x8000, $0x38;
	[tilespmem:$0x14900] =	vst v63  }
0x4d: {  	s29 =	smov.u32 s25;
	s28 =	smov.u32 s26  }
0x4e: {  	p1 =	sne.s32 s25, $0x11000;
	s25 =	sadd.s32 $0x800, s25;
	_ =	swait.ge [sflag:s22], $0x8000  }
0x4f: {  	s29 =	sshra.s32 s29, $0x2;
	[sflag:s22] =	ssyncset.done $0x0  }
0x50: {  	s30 =	sadd.s32 $0x300, s29;
	[sflag:s22] =	ssyncadd.s32 $0xFFFF8000  }
0x51: {  	[tilespmem:s13], [sflag:$0x1] =	stream.indirect.gather [spmem:s1], $0x40, s30, s12, $0xb8;
	[tilespmem:$0x14900] =	vst v63  }
0x52: {  	s30 =	sadd.s32 $0x380, s29  }
0x53: {  	[tilespmem:s15], [sflag:$0x1] =	stream.indirect.gather [spmem:s1], $0x40, s30, s12, $0xb8;
	[tilespmem:$0x14900] =	vst v63  }
0x54: {  	_ =	swait.ge [sflag:s16], $0x2000  }
0x55: {  	[sflag:s16] =	ssyncset.done $0x0  }
0x56: {  	[sflag:s16] =	ssyncadd.s32 $0xFFFFE000  }
0x57: {  	_ =	swait.ge [sflag:s16], $0x2000  }
0x58: {  	[sflag:s16] =	ssyncset.done $0x0  }
0x59: {  	s30 =	sadd.s32 $0xFFFFF000, s26;
	[sflag:s16] =	ssyncadd.s32 $0xFFFFE000  }
0x5a: {  	[hbm4b:s30+s2] =	stream.linear.scatter [tilespmem:s13], [sflag:$0x3], $0x8000, $0x38;
	[tilespmem:$0x14900] =	vst v63  }
0x5b: {  	_ =	swait.ge [sflag:s23], $0x8000  }
0x5c: {  	[sflag:s23] =	ssyncset.done $0x0  }
0x5d: {  	s30 =	sadd.s32 $0x400, s29;
	[sflag:s23] =	ssyncadd.s32 $0xFFFF8000  }
0x5e: {  	[tilespmem:s18], [sflag:$0x2] =	stream.indirect.gather [spmem:s1], $0x40, s30, s12, $0xb8;
	[tilespmem:$0x14900] =	vst v63  }
0x5f: {  	s29 =	sadd.s32 $0x480, s29  }
0x60: {  	[tilespmem:s20], [sflag:$0x2] =	stream.indirect.gather [spmem:s1], $0x40, s29, s12, $0xb8;
	[tilespmem:$0x14900] =	vst v63  }
0x61: {  	_ =	swait.ge [sflag:s21], $0x2000  }
.Ltmp0:
0x62: {  	[sflag:s21] =	ssyncset.done $0x0;
	(pc) =	sbr.rel @p1 .LBB2_2-.Ltmp0, $4  }
0x63: {  	[sflag:s21] =	ssyncadd.s32 $0xFFFFE000  }
0x64: {  	_ =	swait.ge [sflag:s21], $0x2000  }
0x65: {  	[sflag:s21] =	ssyncset.done $0x0  }
0x66: {  	s26 =	sadd.s32 $0x2000, s26;
	[sflag:s21] =	ssyncadd.s32 $0xFFFFE000  }
0x67: {  	[hbm4b:s28+s2] =	stream.linear.scatter [tilespmem:s18], [sflag:$0x4], $0x8000, $0x38;
	[tilespmem:$0x14900] =	vst v63  }
0x68: {  	s24 =	sadd.s32 $0x1, s24  }
0x69: {  	_ =	swait.ge [sflag:s22], $0x8000;
	p1 =	sne.s32 s24, s7  }
.Ltmp1:
0x6a: {  	[sflag:s22] =	ssyncset.done $0x0;
	(pc) =	sbr.rel @p1 .LBB2_1-.Ltmp1, $4  }
0x6b: {  	[sflag:s22] =	ssyncadd.s32 $0xFFFF8000  }
0x6c: {  	_ =	swait.ge [sflag:s23], $0x8000  }
0x6d: {  	[sflag:s23] =	ssyncset.done $0x0  }
0x6e: {  	[sflag:s23] =	ssyncadd.s32 $0xFFFF8000  }
0x6f: {  	_ =	sfence.sel $0x180000  }
0x70: {  	[bflag:$0x0] =	sbarrier.arrive $0xFFFF  }
0x71: {  	_ =	strace $0x90000047  }
0x72: {  	s0 =	sadd.s32 @!p0 $0x100000, s0;
	[bflag:$0x2] =	sbarrier.arrive $0xFFFF  }
0x73: {  	[sflag:s0] =	ssyncadd.tile.s32 @!p0 $0x1;
	_ =	shalt  }
.Lfunc_end2:
_tile_overlayer_lowered:
.L_overlay_start_2:
0x74: {  	(tag) =	ssettag $0x2  }
0x75: {  	s0 =	rddreg [dreg:$0x0];
	s2 =	stileid.u32  }
0x76: {  	s1 =	rddreg [dreg:$0x1];
	p0 =	sne.s32 s2, $0x0  }
0x77: {  	s3 =	rddreg [dreg:$0x2];
	[bflag:$0x3] =	sbarrier.arrive $0xFFFF;
	s2 =	simm.s32 @!p0 $0x1C05  }
0x78: {  	[timem:s3], [sflag:s2] =	dma.local @!p0 [hbm:s0], s1  }
0x79: {  	s0 =	simm.s32 @!p0 $0x5  }
0x7a: {  	_ =	swait.ge @!p0 [sflag:s0], s1  }
0x7b: {  	s1 =	ssub.s32 @!p0 $0x0, s1;
	[sflag:s0] =	ssyncset.done @!p0 $0x0  }
0x7c: {  	[sflag:s0] =	ssyncadd.s32 @!p0 s1  }
0x7d: {  	[bflag:$0x3] =	sbarrier.arrive $0xFFFF  }
0x7e: {  	_ =	shalt  }

// kernel: sparse-core-data-format-call.cloned.1.call-start
scs
called_computation_lowered:
.L_overlay_start_0:
0x0: {  	s2 =	sld [smem:$0x3FD9]  }
0x1: {  	s3 =	sld [smem:$0x3FFE];
	_ =	sdelay $0x1  }
0x2: {  	s1 =	srdreg.scid  }
0x3: {  	s0 =	sand.u32 $0x1, s1  }
0x4: {  	s18 =	sshll.u32 s0, $0xA;
	s2 =	sadd.s32 s3, s2  }
0x5: {  	s2 =	sadd.s32 s2, s18  }
0x6: {  	[smem:$0x3FC1] =	sst s2  }
0x7: {  	_ = 	snop  }
0x8: {  	s2 =	sld [smem:$0x3FD0];
	(tm) =	ssettm $0x1  }
0x9: {  	s19 =	sld [smem:$0x3FFB];
	_ =	sdelay $0x3  }
0xa: {  	_ =	strace s19  }
0xb: {  	s3 =	sld [smem:$0x3FFC];
	_ =	sdelay $0x3  }
0xc: {  	_ =	strace s3  }
0xd: {  	s3 =	sld [smem:$0x3FFD];
	_ =	sdelay $0x3  }
0xe: {  	_ =	strace s3  }
0xf: {  	_ =	strace $0x8FFFFFFF  }
0x10: {  	s20 =	sld [smem:$0x3FDB];
	_ =	sdelay $0x1  }
0x11: {  	s4 =	simm.s32 $_scs_section_size  }
0x12: {  	s5 =	simm.s32 $_size__tile_overlayer_lowered;
	s6 =	simm.s32 $_tile_overlayer_lowered  }
0x13: {  	s23 =	simm.s32 $0x1BFF;
	s22 =	sshll.u32 s6, $0x1;
	s3 =	sadd.s32 s4, s20  }
0x14: {  	s7 =	simm.s32 $0x0;
	s21 =	sshll.u32 s5, $0x1;
	s5 =	sadd.s32 s22, s3  }
0x15: {  	[timem:s7], [sflag:s23] =	dma.local [hbm:s5], s21  }
0x16: {  	_ =	swait.ge [sflag:s23], s21  }
0x17: {  	s4 =	ssub.s32 $0x0, s21;
	[sflag:s23] =	ssyncset.done $0x0  }
0x18: {  	[sflag:s23] =	ssyncadd.s32 s4;
	_ =	sdelay $0x1  }
0x19: {  	s24 =	simm.s32 $0x1B8B  }
0x1a: {  	_ =	swait.ge [sflag:s24], $0x1  }
0x1b: {  	[sflag:s24] =	ssyncset.done $0x0  }
0x1c: {  	s26 =	simm.s32 $0x1B8E;
	s25 =	sld [smem:$0x3FFE];
	[sflag:s24] =	ssyncadd.s32 $0xFFFFFFFF  }
0x1d: {  	s27 =	simm.s32 $execute0_lowered;
	[smem:$0x3FD2] =	sst s26  }
0x1e: {  	s5 =	sshll.u32 s27, $0x1;
	_ =	strace $0x80000049;
	[dreg:$0x1] =	wrdreg $0xFFFFFFFF  }
0x1f: {  	s28 =	simm.s32 $_size_execute0_lowered;
	s3 =	sadd.s32 s3, s5;
	[dreg:$0x0] =	wrdreg $0x0  }
0x20: {  	s5 =	sshll.u32 s28, $0x1;
	[dreg:$0x2] =	wrdreg s3  }
0x21: {  	[dreg:$0x3] =	wrdreg s5  }
0x22: {  	[dreg:$0x4] =	wrdreg $0xC0  }
0x23: {  	_ =	task [dreg:s7], $0x5FFFF  }
0x24: {  	[dreg:$0x1] =	wrdreg $0xFFFFFFFF  }
0x25: {  	[dreg:$0x0] =	wrdreg $0x60  }
0x26: {  	[dreg:$0x2] =	wrdreg s25  }
0x27: {  	[dreg:$0x3] =	wrdreg s2  }
0x28: {  	[dreg:$0x4] =	wrdreg $0x9  }
0x29: {  	_ =	task.clear_ibuf [dreg:s7], $0x5FFFF;
	_ =	strace $0x90000049  }
0x2a: {  	s29 =	simm.s32 $0x9;
	_ =	strace $0x8000004B  }
0x2b: {  	_ =	swait.ge [sflag:s29], $0x1  }
0x2c: {  	[sflag:s29] =	ssyncadd.s32 $0xFFFFFFFF  }
0x2d: {  	_ =	strace $0x9000004B  }
0x2e: {  	_ =	sfence  }
0x2f: {  	s30 =	sld [smem:$0x0];
	_ =	sdelay $0x2  }
0x30: {  	s31 =	sshll.u32 s1, $0xD;
	s1 =	sshrl.u32 s1, $0x2  }
0x31: {  	s3 =	sand.u32 $0x4000, s31;
	s1 =	sadd.s32 s1, s30  }
0x32: {  	s0 =	sor.u32 s3, s0;
	s1 =	sshll.u32 s1, $0x11  }
0x33: {  	s0 =	sor.u32 s1, s0  }
0x34: {  	s0 =	sadd.s32 $0x8F2B, s0  }
0x35: {  	[sflag:s0] =	ssyncadd.remote.s32 $0x1  }
0x36: {  	_ =	sfence.sel $0xFFFF  }
0x37: {  	[dreg:$0x0] =	wrdreg $0xFFFFFFFF;
	(pc) =	sbr.abs _section_cstart, $3  }
0x38: {  	[dreg:$0x1] =	wrdreg $0xFFFFFFFF  }
0x39: {  	_ =	task.clear_ibuf [dreg:s7], $0x2FFFF;
	_ =	strace $0x9FFFFFFF  }
0x3a: {  	(tm) =	ssettm $0x7FFFFFFF  }
0x3b: {  	_ =	shalt  }
tec
execute0_lowered:
.L_overlay_start_1:
0x0: {  	(tag) =	ssettag $0x1  }
0x1: {  	s3 =	rddreg [dreg:$0x0]  }
0x2: {  	s1 =	rddreg [dreg:$0x1];
	s2 =	srdreg.scid  }
0x3: {  	s0 =	rddreg [dreg:$0x2];
	_ =	strace $0x8000004A;
	s5 =	simm.s32 $0x1  }
0x4: {  	s7 =	simm.s32 $0x2;
	s13 =	simm.s32 $0x0;
	p0 =	por $0x0, $0x0  }
0x5: {  	s14 =	simm.s32 $0x0;
	s15 =	simm.s32 $0x0;
	s9 =	simm.s32 $0x0  }
.Ltmp0:
0x6: {  	s11 =	stileid.u32;
	s2 =	sand.u32 $0x1, s2;
	(pc) =	sbr.rel .LBB1_1-.Ltmp0, $4  }
0x7: {  	s12 =	simm.s32 $0x0;
	s4 =	sadd.s32 $0x1800, s3;
	s6 =	ssub.s32 $0xC0, s2  }
0x8: {  	[sflag:s5] =	ssyncpa.u1 $0x0;
	s3 =	stileid.u32;
	s31 =	sshrl.u32 s6, $0x1  }
0x9: {  	[sflag:s7] =	ssyncpa.u1 $0x0;
	s10 =	smov.u32 s2;
	s8 =	ssub.s32 s6, s31  }
0xa: {  	s6 =	sshll.u32 s8, $0x1;
	s7 =	sshllo.u32 s8, $0x1;
	s8 =	simm.s32 $0x800  }
.LBB1_4:
0xb: {  	s15 =	smul.u32 $0x60000, s15;
	_ =	sdelay $0x1  }
0xc: {  	s18 =	sand.u32 $0x780, s13;
	s14 =	sshll.u32 s14, $0xB;
	s15 =	sadd.s32 s1, s15  }
0xd: {  	[tilespmem:s17+$0x810 ss:$0x81] =	vst.msk $0xffff, v2;
	s19 =	sshrl.u32 s13, $0x3;
	s30 =	sand.u32 $0x7, s13;
	s14 =	sadd.s32 s14, s15  }
0xe: {  	[tilespmem:s17+$0x1020 ss:$0x81] =	vst.msk $0xffff, v0;
	s31 =	sand.u32 $0xF, s19;
	s13 =	sshll.u32 s30, $0x12;
	s14 =	sadd.s32 s18, s14  }
0xf: {  	[tilespmem:s17+$0x0 ss:$0x81] =	vst.msk $0xffff, v1;
	s13 =	sor.u32 $0x400, s13;
	s14 =	sadd.s32 s31, s14  }
0x10: {  	[hbm4b:s14+s13] =	stream.strided.scatter [tilespmem:s16], [sflag:$0x2], $0x2000, s8, s13, $0x20;
	[tilespmem:$0x8080] =	vst v63  }
.LBB1_5:
0x11: {  	s16 =	sadd.s32 $0x80, s9  }
0x12: {  	s13 =	sadd.s32 $0x2, s10;
	s17 =	smov.u32 s10;
	p2 =	sgt.s32 s16, $0xBF  }
0x13: {  	s17 =	smov.u32 @p2 s13  }
0x14: {  	s19 =	smov.u32 s11;
	s13 =	sadd.s32 $0x10, s11;
	p3 =	sgt.s32 s17, $0xBF  }
0x15: {  	s19 =	smov.u32 @p3 s13  }
0x16: {  	s16 =	simm.s32 @p2 $0x0;
	p2 =	sgt.s32 s19, $0xF  }
0x17: {  	p1 =	slt.u32 s12, $0x2;
	s19 =	smov.u32 @p2 s3;
	p2 =	sne.s32 s12, s7  }
.Ltmp1:
0x18: {  	s18 =	simm.s32 @!p1 $0x2;
	(pc) =	sbr.rel @!p2 .LBB1_6-.Ltmp1, $4  }
0x19: {  	s14 =	smov.u32 s10;
	s15 =	smov.u32 s11;
	_ =	swait.ge @!p1 [sflag:s18], $0x2000  }
0x1a: {  	p0 =	por !p0, !p0;
	[sflag:s18] =	ssyncset.done @!p1 $0x0;
	s17 =	smov.u32 @p3 s2  }
0x1b: {  	s13 =	smov.u32 s9;
	[sflag:s18] =	ssyncadd.s32 @!p1 $0xFFFFE000;
	s9 =	smov.u32 s16  }
0x1c: {  	s10 =	smov.u32 s17;
	s12 =	sadd.s32 $0x1, s12;
	s11 =	smov.u32 s19  }
.LBB1_1:
0x1d: {  	p1 =	sge.u32 s12, s6  }
0x1e: {  	s17 =	smov.u32 s11;
	s20 =	smov.u32 s10;
	p2 =	sgt.s32 @!p1 s11, $0xF  }
0x1f: {  	s16 =	sand.u32 @!p1 $0x1FFFFFF, s9;
	s19 =	sshra.s32 @!p1 s11, $0x1F;
	p2 =	por !p2, p1  }
0x20: {  	s21 =	sshra.s32 @!p1 s10, $0x1F;
	s17 =	simm.s32 @p2 $0xF;
	p2 =	sgt.s32 @!p1 s10, $0xBF  }
0x21: {  	s18 =	smulhi.u32 @!p1 $0x1555556, s16;
	s19 =	sand.u32 @!p1 s19, s11;
	p2 =	por !p2, p1  }
0x22: {  	s21 =	sand.u32 @!p1 s21, s10;
	s17 =	ssub.s32 @!p1 s17, s19;
	s20 =	simm.s32 @p2 $0xBF  }
0x23: {  	p2 =	sgt.s32 @!p1 s9, $0x40;
	s17 =	sadd.s32 @!p1 $0xFFFFFFF1, s17;
	s19 =	ssub.s32 @!p1 s20, s21  }
0x24: {  	p2 =	por !p2, p1;
	s21 =	smov.u32 s9;
	s20 =	sadd.s32 @!p1 $0xFFFFFF41, s19  }
0x25: {  	s21 =	simm.s32 @p2 $0x40;
	p3 =	sgt.s32 @!p1 s20, $0x0;
	s20 =	sshra.s32 @!p1 s9, $0x1F  }
0x26: {  	p2 =	sgt.s32 @!p1 s17, $0x0;
	s17 =	sshll.u32 @!p1 s17, $0x6;
	s20 =	sand.u32 @!p1 s20, s9  }
0x27: {  	s19 =	ssub.s32 @!p1 $0xC0, s19;
	s17 =	ssub.s32 @!p1 $0x40, s17;
	s20 =	ssub.s32 @!p1 s21, s20  }
0x28: {  	p2 =	por !p2, p1;
	p3 =	por !p3, p1;
	s21 =	sadd.s32 @!p1 $0xFFFFFFC0, s20  }
0x29: {  	s17 =	simm.s32 @!p2 $0x0;
	s19 =	simm.s32 @!p3 $0x0;
	p3 =	sgt.s32 @!p1 s21, $0x7F  }
0x2a: {  	s20 =	ssub.s32 @!p1 $0xC0, s20;
	s17 =	smul.u32 @!p1 s19, s17;
	p2 =	por !p3, p1  }
0x2b: {  	s18 =	smul.u32 @!p1 $0xC0, s18;
	s20 =	simm.s32 @!p2 $0x0  }
0x2c: {  	s17 =	smul.u32 @!p1 s20, s17  }
0x2d: {  	s31 =	sadd.s32 $0xFFFFFFFF, s12;
	s20 =	smul.u32 @!p1 $0x90000, s11  }
0x2e: {  	s16 =	ssub.s32 @!p1 s16, s18;
	s19 =	sxor.u32 @!p1 $0xFFFFFFFF, s12;
	s21 =	smul.u32 @!p1 $0xC00, s10  }
0x2f: {  	s16 =	sshll.u32 @!p1 s16, $0x4;
	s19 =	sshll.u32 @!p1 s19, $0xD;
	s18 =	sadd.s32 @!p1 s4, s20  }
0x30: {  	s19 =	sand.u32 @!p1 $0x2000, s19;
	s17 =	sand.u32 @!p1 $0x3FFFFFC0, s17;
	s18 =	sadd.s32 @!p1 s21, s18  }
0x31: {  	s20 =	simm.s32 @!p1 $0x80;
	s16 =	sadd.s32 @!p1 s16, s18;
	s18 =	simm.s32 @!p1 $0x40  }
0x32: {  	[tilespmem:s19], [sflag:$0x1] =	stream.strided.gather @!p1 [hbm4b:s16+s18], s17, s20, s18, $0x38;
	[tilespmem:$0x8080] =	vst v63  }
0x33: {  	p1 =	sge.u32 s31, s6  }
.Ltmp2:
0x34: {  	_ = 	snop;
	(pc) =	sbr.rel @p1 .LBB1_5-.Ltmp2, $1  }
0x35: {  	_ =	sdelay $0x3  }
0x36: {  	p1 =	sgt.s32 s15, $0xF  }
0x37: {  	s16 =	smov.u32 s15;
	s17 =	sshra.s32 s15, $0x1F;
	s18 =	sshra.s32 s14, $0x1F  }
0x38: {  	p2 =	sgt.s32 s13, $0x40;
	s16 =	simm.s32 @!p1 $0xF;
	s17 =	sand.u32 s17, s15  }
0x39: {  	s20 =	sshra.s32 s13, $0x1F;
	p1 =	sgt.s32 s14, $0xBF;
	s16 =	ssub.s32 s16, s17  }
0x3a: {  	s18 =	sand.u32 s18, s14;
	s17 =	smov.u32 s14;
	s16 =	sadd.s32 $0xFFFFFFF1, s16  }
0x3b: {  	s26 =	sand.u32 s20, s13;
	s17 =	simm.s32 @!p1 $0xBF;
	p1 =	sgt.s32 s16, $0x0  }
0x3c: {  	s17 =	ssub.s32 s17, s18;
	s18 =	smov.u32 s13;
	s16 =	sshll.u32 s16, $0x6  }
0x3d: {  	s19 =	sadd.s32 $0xFFFFFF41, s17;
	s18 =	simm.s32 @!p2 $0x40;
	s17 =	ssub.s32 $0xC0, s17  }
0x3e: {  	s16 =	ssub.s32 $0x40, s16;
	p2 =	sgt.s32 s19, $0x0;
	s18 =	ssub.s32 s18, s26  }
0x3f: {  	s16 =	simm.s32 @p1 $0x0;
	s17 =	simm.s32 @p2 $0x0;
	s19 =	sadd.s32 $0xFFFFFFC0, s18  }
0x40: {  	s18 =	ssub.s32 $0xC0, s18;
	p1 =	sgt.s32 s19, $0x7F;
	s16 =	smul.u32 s17, s16  }
0x41: {  	s18 =	simm.s32 @p1 $0x0  }
0x42: {  	s16 =	smul.u32 s18, s16;
	_ =	sdelay $0x1  }
0x43: {  	s17 =	simm.s32 $0x1;
	s16 =	sand.u32 $0x3FFFFFC0, s16  }
0x44: {  	s17 =	simm.s32 @!p0 $0x0;
	_ =	swait.ge [sflag:s5], s16  }
0x45: {  	s27 =	sshll.u32 s17, $0xD;
	s16 =	ssub.s32 $0x0, s16;
	[sflag:s5] =	ssyncset.done $0x0  }
0x46: {  	s28 =	sor.u32 $0x20, s27;
	[sflag:s5] =	ssyncadd.s32 s16  }
0x47: {  	s29 =	smul.u32 $0x8100, s17;
	v3 =	vld [tilespmem:s28+$0x10]  }
0x48: {  	s30 =	sand.u32 $0x1, s12;
	v2 =	vld [tilespmem:s28+$0xFFFFFFF0]  }
0x49: {  	s17 =	smul.u32 $0x8100, s30;
	s16 =	sshrl.u32 s29, $0x2;
	v0 =	vld [tilespmem:s28+$0x0]  }
0x4a: {  	s18 =	sor.u32 $0x4000, s16;
	v1 =	vld [tilespmem:s28+$0xFFFFFFE0]  }
0x4b: {  	s31 =	sshrl.u32 s17, $0x2;
	s17 =	sadd.s32 $0x0, s18  }
0x4c: {  	s19 =	simm.s32 $0x4;
	s20 =	sadd.s32 $0x40, s28;
	s16 =	sor.u32 $0x4000, s31;
	[tilespmem:s17+$0x1830 ss:$0x81] =	vst.msk $0xffff, v3  }
.LBB1_3:
0x4d: {  	v3 =	vld [tilespmem:s20+$0x10];
	p1 =	sne.s32 s19, $0x1FC;
	[tilespmem:s17+$0x810 ss:$0x81] =	vst.msk $0xffff, v2;
	s21 =	smov.u32 s19;
	s19 =	sadd.s32 $0x4, s19  }
.Ltmp3:
0x4e: {  	v2 =	vld [tilespmem:s20+$0xFFFFFFF0];
	[tilespmem:s17+$0x1020 ss:$0x81] =	vst.msk $0xffff, v0;
	(pc) =	sbr.rel @p1 .LBB1_3-.Ltmp3, $4  }
0x4f: {  	v0 =	vld [tilespmem:s20+$0x0];
	[tilespmem:s17+$0x0 ss:$0x81] =	vst.msk $0xffff, v1  }
0x50: {  	s17 =	sshra.s32 s21, $0x2;
	v1 =	vld [tilespmem:s20+$0xFFFFFFE0]  }
0x51: {  	s17 =	sadd.s32 s17, s18  }
0x52: {  	s20 =	sadd.s32 $0x40, s20;
	[tilespmem:s17+$0x1830 ss:$0x81] =	vst.msk $0xffff, v3  }
.Ltmp4:
0x53: {  	_ = 	snop;
	(pc) =	sbr.rel .LBB1_4-.Ltmp4, $1  }
0x54: {  	_ =	sdelay $0x3  }
.LBB1_6:
0x55: {  	_ =	sfence.sel $0x180000  }
0x56: {  	s1 =	simm.s32 $0x1;
	[bflag:$0x0] =	sbarrier.arrive $0xFFFF  }
0x57: {  	s31 =	simm.s32 $0x2;
	[sflag:s1] =	ssyncpa.u1 $0x1  }
0x58: {  	[sflag:s31] =	ssyncpa.u1 $0x1  }
0x59: {  	p0 =	sne.s32 s3, $0x0;
	_ =	strace $0x9000004A  }
0x5a: {  	s0 =	sadd.s32 @!p0 $0x100000, s0;
	[bflag:$0x2] =	sbarrier.arrive $0xFFFF  }
0x5b: {  	[sflag:s0] =	ssyncadd.tile.s32 @!p0 $0x1;
	_ =	shalt  }
.Lfunc_end1:
_tile_overlayer_lowered:
.L_overlay_start_2:
0x5c: {  	(tag) =	ssettag $0x2  }
0x5d: {  	s0 =	rddreg [dreg:$0x0];
	s2 =	stileid.u32  }
0x5e: {  	s1 =	rddreg [dreg:$0x1];
	p0 =	sne.s32 s2, $0x0  }
0x5f: {  	s3 =	rddreg [dreg:$0x2];
	[bflag:$0x3] =	sbarrier.arrive $0xFFFF;
	s2 =	simm.s32 @!p0 $0x1C01  }
0x60: {  	[timem:s3], [sflag:s2] =	dma.local @!p0 [hbm:s0], s1  }
0x61: {  	s0 =	simm.s32 @!p0 $0x1  }
0x62: {  	_ =	swait.ge @!p0 [sflag:s0], s1  }
0x63: {  	s1 =	ssub.s32 @!p0 $0x0, s1;
	[sflag:s0] =	ssyncset.done @!p0 $0x0  }
0x64: {  	[sflag:s0] =	ssyncadd.s32 @!p0 s1  }
0x65: {  	[bflag:$0x3] =	sbarrier.arrive $0xFFFF  }
0x66: {  	_ =	shalt  }

</sc_bundles>
